<compile_context>
chip_gen: v7x
topology: tpu7x:2x2x1
jax: 0.10.2.dev20260603
libtpu: 0.0.44.dev20260713+nightly
codegen_flags: <defaults>
</compile_context>

<pallas_src>
import functools

import jax
import jax.numpy as jnp
from jax import lax
from jax.experimental import pallas as pl
from jax.experimental.pallas import tpu as pltpu
from jax.experimental.pallas import tpu_sc as plsc

B, N, F = 2, 2048, 32
K, NS, C = 64, 32, 216
Q = K * C
QCH = 768
NCH = Q // QCH
DT = 128
ROWS = B * Q
NWORK = 32
RPW = Q // NWORK
GCH = 48
NGC = RPW // GCH

_HI = lax.Precision.HIGHEST
_DEF = lax.Precision.DEFAULT


def _mm(a, b, prec):
    return lax.dot_general(a, b, (((1,), (0,)), ((), ())), precision=prec)


def _prep_body(spts_ref, tpts_ref, RT_ref,
               Wf1_ref, bf1_ref, Wf2_ref, bf2_ref, wwl_ref,
               Wd1_ref, bd1_ref, Wd2_ref, bd2_ref, off_ref,
               keypts_ref, trans_ref, nn_ref, dfe_ref, table_ref, cf_ref):
    b = pl.program_id(0)
    sp = spts_ref[0]
    tp = tpts_ref[0]
    W1 = Wf1_ref[...]
    b1 = bf1_ref[...]
    W2 = Wf2_ref[...]
    b2 = bf2_ref[...]

    def _fe(p):
        h = jax.nn.relu(lax.dot_general(p, W1, (((0,), (0,)), ((), ())),
                                        precision=_DEF) + b1)
        return jax.nn.relu(_mm(h, W2, _DEF) + b2)

    src_feat = _fe(sp)
    tgt_feat = _fe(tp)
    scoresT = lax.dot_general(wwl_ref[...], src_feat,
                              (((0,), (1,)), ((), ())),
                              precision=_DEF)

    lane_1n = lax.broadcasted_iota(jnp.int32, (1, N), 1)
    sub_k1 = lax.broadcasted_iota(jnp.int32, (K, 1), 0)
    lane_kn = lax.broadcasted_iota(jnp.int32, (K, N), 1)

    def topk_body(j, carry):
        sc, kidx = carry
        m = jnp.max(sc)
        idx = jnp.min(jnp.where(sc == m, lane_1n, N))
        kidx = jnp.where(sub_k1 == j, idx, kidx)
        sc = jnp.where(lane_1n == idx, -jnp.inf, sc)
        return sc, kidx

    _, kidx = lax.fori_loop(0, K, topk_body,
                            (scoresT, jnp.zeros((K, 1), jnp.int32)))
    sel = jnp.where(lane_kn == kidx, 1.0, 0.0)

    keypts = lax.dot_general(sel, sp, (((1,), (1,)), ((), ())),
                             precision=_HI)
    key_feat = _mm(sel, src_feat, _HI)
    keyptsT = lax.dot_general(sp, sel, (((1,), (1,)), ((), ())),
                              precision=_HI)

    dx = keypts[:, 0:1] - keyptsT[0:1, :]
    dy = keypts[:, 1:2] - keyptsT[1:2, :]
    dz = keypts[:, 2:3] - keyptsT[2:3, :]
    d2 = (dx * dx + dy * dy) + dz * dz

    col_kk = lax.broadcasted_iota(jnp.int32, (K, K), 1)
    lane_ks = lax.broadcasted_iota(jnp.int32, (K, NS), 1)

    def knn_body(s, carry):
        d2w, gidx = carry
        rm = jnp.min(d2w, axis=1, keepdims=True)
        idxc = jnp.min(jnp.where(d2w == rm, col_kk, K), axis=1, keepdims=True)
        gidx = jnp.where(lane_ks == s, idxc, gidx)
        d2w = jnp.where(col_kk == idxc, jnp.inf, d2w)
        return d2w, gidx

    _, gidx = lax.fori_loop(0, NS, knn_body,
                            (d2, jnp.zeros((K, NS), jnp.int32)))

    Gp = jnp.concatenate(
        [jnp.where(col_kk == gidx[:, s:s + 1], 1.0, 0.0) for s in range(NS)],
        axis=0)
    gxyz = _mm(Gp, keypts, _HI)
    gfeat = _mm(Gp, key_feat, _HI)
    kp_rep = jnp.broadcast_to(keypts[None, :, :], (NS, K, 3)).reshape(NS * K, 3)
    cat = jnp.concatenate([gxyz - kp_rep, gfeat], axis=1)
    hs = jax.nn.relu(_mm(cat, Wd1_ref[...], _DEF) + bd1_ref[...])
    hs = jax.nn.relu(_mm(hs, Wd2_ref[...], _DEF) + bd2_ref[...])
    dfe_ref[0] = jnp.max(hs.reshape(NS, K, F), axis=0)

    trans = _mm(keypts, RT_ref[...], _DEF)
    cand = trans[:, None, :] + off_ref[...][None, :, :]
    cf = cand.reshape(Q, 3)
    keypts_ref[0] = keypts
    trans_ref[0] = trans

    tT = lax.dot_general(tp, jnp.eye(3, dtype=jnp.float32),
                         (((0,), (0,)), ((), ())), precision=_HI)
    table_ref[0] = jnp.concatenate(
        [tT, tgt_feat, jnp.zeros((N, DT - 3 - F), jnp.float32)], axis=1)

    tx = tp[0:1, :]
    ty = tp[1:2, :]
    tz = tp[2:3, :]
    tn = (tx * tx + ty * ty) + tz * tz
    tp2 = tp + tp
    lane_qf = lax.broadcasted_iota(jnp.int32, (1, N), 1).astype(jnp.float32)
    cf_ref[...] = cf

    def nn_body(t, _):
        start = pl.multiple_of(t * QCH, QCH)
        cfc = cf_ref[pl.ds(start, QCH), :]
        qn = (cfc[:, 0:1] * cfc[:, 0:1] + cfc[:, 1:2] * cfc[:, 1:2]) \
            + cfc[:, 2:3] * cfc[:, 2:3]
        cross2 = _mm(cfc, tp2, _DEF)
        d2t = (qn + tn) - cross2
        m = jnp.min(d2t, axis=1, keepdims=True)
        idxf = jnp.min(jnp.where(d2t == m, lane_qf, float(N)),
                       axis=1, keepdims=True)
        nn_ref[0, pl.ds(start, QCH), :] = idxf.astype(jnp.int32)
        return 0

    lax.fori_loop(0, NCH, nn_body, 0)


KB = 16
QB = KB * C


def _cpg_body(g_ref, trans_ref, dfe_ref, off_ref, Wt1_ref, bt1_ref, Wt2_ref,
              bt2_ref, vcp_ref):
    g = g_ref[0]
    trans = trans_ref[0]
    cand = trans[:, None, :] + off_ref[...][None, :, :]
    cf = cand.reshape(QB, 3)
    tcat = jnp.concatenate([cf - g[:, 0:3], g[:, 3:3 + F]], axis=1)
    ht = jax.nn.relu(_mm(tcat, Wt1_ref[...], _DEF) + bt1_ref[...])
    ht = jax.nn.relu(_mm(ht, Wt2_ref[...], _DEF) + bt2_ref[...])
    dfe = dfe_ref[0]
    sim = jnp.sum(ht.reshape(KB, C, F) * dfe[:, None, :], axis=2)
    m = jnp.max(sim, axis=1, keepdims=True)
    e = jnp.exp(sim - m)
    w = e / jnp.sum(e, axis=1, keepdims=True)
    vcp_ref[0] = jnp.sum(w[:, :, None] * cand, axis=1)


_PREP_IN_SPECS = [
    pl.BlockSpec((1, 3, N), lambda b: (b, 0, 0)),
    pl.BlockSpec((1, 3, N), lambda b: (b, 0, 0)),
    pl.BlockSpec((3, 3), lambda b: (0, 0)),
    pl.BlockSpec((3, F), lambda b: (0, 0)),
    pl.BlockSpec((1, F), lambda b: (0, 0)),
    pl.BlockSpec((F, F), lambda b: (0, 0)),
    pl.BlockSpec((1, F), lambda b: (0, 0)),
    pl.BlockSpec((F, 1), lambda b: (0, 0)),
    pl.BlockSpec((3 + F, 64), lambda b: (0, 0)),
    pl.BlockSpec((1, 64), lambda b: (0, 0)),
    pl.BlockSpec((64, F), lambda b: (0, 0)),
    pl.BlockSpec((1, F), lambda b: (0, 0)),
    pl.BlockSpec((C, 3), lambda b: (0, 0)),
]
_PREP_OUT_SPECS = [
    pl.BlockSpec((1, K, 3), lambda b: (b, 0, 0)),
    pl.BlockSpec((1, K, 3), lambda b: (b, 0, 0)),
    pl.BlockSpec((1, Q, 1), lambda b: (b, 0, 0)),
    pl.BlockSpec((1, K, F), lambda b: (b, 0, 0)),
    pl.BlockSpec((1, N, DT), lambda b: (b, 0, 0)),
]
_PREP_OUT_SHAPES = [
    jax.ShapeDtypeStruct((1, K, 3), jnp.float32),
    jax.ShapeDtypeStruct((1, K, 3), jnp.float32),
    jax.ShapeDtypeStruct((1, Q, 1), jnp.int32),
    jax.ShapeDtypeStruct((1, K, F), jnp.float32),
    jax.ShapeDtypeStruct((1, N, DT), jnp.float32),
]

_CPG_IN_SPECS = [
    pl.BlockSpec((1, QB, DT), lambda b, kc: (b, kc, 0)),
    pl.BlockSpec((1, KB, 3), lambda b, kc: (b, kc, 0)),
    pl.BlockSpec((1, KB, F), lambda b, kc: (b, kc, 0)),
    pl.BlockSpec((C, 3), lambda b, kc: (0, 0)),
    pl.BlockSpec((3 + F, 64), lambda b, kc: (0, 0)),
    pl.BlockSpec((1, 64), lambda b, kc: (0, 0)),
    pl.BlockSpec((64, F), lambda b, kc: (0, 0)),
    pl.BlockSpec((1, F), lambda b, kc: (0, 0)),
]
_CPG_OUT_SPEC = pl.BlockSpec((1, KB, 3), lambda b, kc: (b, kc, 0))
_CPG_OUT_SHAPE = jax.ShapeDtypeStruct((1, K, 3), jnp.float32)


@functools.cache
def _make_sc_gather():
    @functools.partial(
        pl.kernel,
        out_type=jax.ShapeDtypeStruct((Q, DT), jnp.float32),
        mesh=plsc.VectorSubcoreMesh(core_axis_name="c", subcore_axis_name="s"),
        scratch_types=[
            pltpu.VMEM((NGC, 1, GCH), jnp.int32),
            pltpu.VMEM((RPW, DT), jnp.float32),
            pltpu.SemaphoreType.DMA,
        ],
    )
    def _sc_gather(table_hbm, idx_hbm, out_hbm, idx_v, rows_v, sem):
        wid = lax.axis_index("s") * 2 + lax.axis_index("c")
        base = wid * RPW
        pltpu.sync_copy(idx_hbm.at[pl.ds(base // GCH, NGC)], idx_v)
        copies = [
            pltpu.async_copy(table_hbm.at[idx_v.at[j, 0]],
                             rows_v.at[pl.ds(j * GCH, GCH)], sem)
            for j in range(NGC)
        ]
        for cp in copies:
            cp.wait()
        pltpu.sync_copy(rows_v, out_hbm.at[pl.ds(base, RPW)])

    return _sc_gather


def kernel(src_pts, tgt_pts, R_init, t_init, W_fe1, b_fe1, W_fe2, b_fe2,
           w_wl, W_ds1, b_ds1, W_ds2, b_ds2, W_dt1, b_dt1, W_dt2, b_dt2):
    g = jnp.linspace(-1.0, 1.0, 6)
    off = jnp.stack(jnp.meshgrid(g, g, g, indexing="ij"), -1).reshape(-1, 3)

    kps, vcps = [], []
    for b in range(B):
        kp, trans, nn, dfe, table = pl.pallas_call(
            _prep_body,
            grid=(1,),
            in_specs=_PREP_IN_SPECS,
            out_specs=_PREP_OUT_SPECS,
            out_shape=_PREP_OUT_SHAPES,
            scratch_shapes=[pltpu.VMEM((Q, 3), jnp.float32)],
        )(src_pts[b:b + 1], tgt_pts[b:b + 1], R_init.T,
          W_fe1, b_fe1.reshape(1, F), W_fe2, b_fe2.reshape(1, F), w_wl,
          W_ds1, b_ds1.reshape(1, 64), W_ds2, b_ds2.reshape(1, F), off)

        gathered = _make_sc_gather()(table.reshape(N, DT),
                                     nn.reshape(Q // GCH, 1, GCH))

        vcp_b = pl.pallas_call(
            _cpg_body,
            grid=(1, K // KB),
            in_specs=_CPG_IN_SPECS,
            out_specs=_CPG_OUT_SPEC,
            out_shape=_CPG_OUT_SHAPE,
        )(gathered.reshape(1, Q, DT), trans, dfe, off,
          W_dt1, b_dt1.reshape(1, 64), W_dt2, b_dt2.reshape(1, F))
        kps.append(kp)
        vcps.append(vcp_b)

    return (jnp.concatenate(kps, axis=0), jnp.concatenate(vcps, axis=0))

# --- scband reference (transcript-rebuilt; emitter-appended) ---
"""Pipeline reference for scband-deep-vcp-64931315581273 (READ-ONLY COPY).

The authoritative reference and input builder live on the scoring server;
editing this copy changes nothing except your own understanding.
"""

import jax, jax.numpy as jnp
import numpy as np

B, N, F = 2, 2048, 32
K_TOPK, NSAMPLE = 64, 32

def _forward(src_pts, tgt_pts, R_init, t_init, W_fe1, b_fe1, W_fe2, b_fe2, w_wl, W_ds1, b_ds1, W_ds2, b_ds2, W_dt1, b_dt1, W_dt2, b_dt2):
    def fe(pts):
        x = jnp.transpose(pts, (0, 2, 1))
        h = jax.nn.relu(x @ W_fe1 + b_fe1)
        f = jax.nn.relu(h @ W_fe2 + b_fe2)
        return x, f
    # shared deep feature extraction (FE1) on both clouds
    src_xyz, src_feat = fe(src_pts)
    tgt_xyz, tgt_feat = fe(tgt_pts)
    # weighting layer (WL): per-point saliency score -> top-K keypoint indices
    scores = jnp.squeeze(src_feat @ w_wl, -1)
    _, keyidx = jax.lax.top_k(scores, K_TOPK)
    src_keypts = jnp.take_along_axis(src_xyz, keyidx[:, :, None], axis=1)
    key_feat = jnp.take_along_axis(src_feat, keyidx[:, :, None], axis=1)
    # sample_and_group(npoint=64, radius=1, nsample=32) via kNN among keypoints
    d2 = jnp.sum((src_keypts[:, :, None, :] - src_keypts[:, None, :, :]) ** 2, -1)
    _, gidx = jax.lax.top_k(-d2, NSAMPLE)
    grouped_xyz = jax.vmap(lambda p, i: p[i])(src_keypts, gidx)
    grouped_feat = jax.vmap(lambda f, i: f[i])(key_feat, gidx)
    # Get_Cat_Feat_Src: relative coords concat grouped deep features
    src_cat = jnp.concatenate([grouped_xyz - src_keypts[:, :, None, :], grouped_feat], -1)
    # rigid transform of keypoints with R_init (t_init_rep computed but unused in original forward)
    src_trans = jnp.einsum('ij,bkj->bki', R_init, src_keypts)
    # voxelize(r=1, s=0.4): 6^3 = 216 candidate offsets per keypoint
    g = jnp.linspace(-1.0, 1.0, 6)
    off = jnp.stack(jnp.meshgrid(g, g, g, indexing='ij'), -1).reshape(-1, 3)
    cand = src_trans[:, :, None, :] + off[None, None, :, :]
    cf = cand.reshape(B, -1, 3)
    # Get_Cat_Feat_Tgt: 1-NN retrieval of each candidate in tgt cloud (matmul-form distances)
    d2t = jnp.sum(cf ** 2, -1)[:, :, None] + jnp.sum(tgt_xyz ** 2, -1)[:, None, :] - 2.0 * jnp.einsum('bqd,bnd->bqn', cf, tgt_xyz)
    nn = jax.lax.stop_gradient(jnp.argmin(d2t, axis=-1))
    nn_xyz = jax.vmap(lambda p, i: p[i])(tgt_xyz, nn)
    nn_feat = jax.vmap(lambda f, i: f[i])(tgt_feat, nn)
    tgt_cat = jnp.concatenate([cf - nn_xyz, nn_feat], -1).reshape(B, K_TOPK, off.shape[0], 3 + F)
    # DFE on src (pool over nsample) and tgt (per candidate)
    hs = jax.nn.relu(src_cat @ W_ds1 + b_ds1)
    hs = jax.nn.relu(hs @ W_ds2 + b_ds2)
    src_dfe = jnp.max(hs, axis=2)
    ht = jax.nn.relu(tgt_cat @ W_dt1 + b_dt1)
    ht = jax.nn.relu(ht @ W_dt2 + b_dt2)
    # CPG: similarity src vs candidate features -> softmax -> weighted candidate coords
    sim = jnp.einsum('bkf,bkcf->bkc', src_dfe, ht)
    w = jax.nn.softmax(sim, axis=-1)
    vcp = jnp.einsum('bkc,bkcd->bkd', w, cand)
    return src_keypts, vcp

def setup_inputs(seed: int = 0):
    key = jax.random.key(seed)
    ks = jax.random.split(key, 12)
    def n(k, shape, s=1.0):
        return s * jax.random.normal(k, shape, dtype=jnp.float32)
    return {
        'src_pts': n(ks[0], (B, 3, N), 5.0),
        'tgt_pts': n(ks[1], (B, 3, N), 5.0),
        'R_init': n(ks[2], (3, 3)),
        't_init': n(ks[3], (1, 3)),
        'W_fe1': n(ks[4], (3, F), 0.3), 'b_fe1': jnp.zeros((F,), jnp.float32),
        'W_fe2': n(ks[5], (F, F), 0.2), 'b_fe2': jnp.zeros((F,), jnp.float32),
        'w_wl': n(ks[6], (F, 1), 0.2),
        'W_ds1': n(ks[7], (3 + F, 64), 0.2), 'b_ds1': jnp.zeros((64,), jnp.float32),
        'W_ds2': n(ks[8], (64, F), 0.2), 'b_ds2': jnp.zeros((F,), jnp.float32),
        'W_dt1': n(ks[9], (3 + F, 64), 0.2), 'b_dt1': jnp.zeros((64,), jnp.float32),
        'W_dt2': n(ks[10], (64, F), 0.2), 'b_dt2': jnp.zeros((F,), jnp.float32),
    }

def reference(src_pts, tgt_pts, R_init, t_init, W_fe1, b_fe1, W_fe2, b_fe2, w_wl, W_ds1, b_ds1, W_ds2, b_ds2, W_dt1, b_dt1, W_dt2, b_dt2):
    return _forward(src_pts, tgt_pts, R_init, t_init, W_fe1, b_fe1, W_fe2, b_fe2, w_wl, W_ds1, b_ds1, W_ds2, b_ds2, W_dt1, b_dt1, W_dt2, b_dt2)

if __name__ == "__main__":
    import jax
    _d = setup_inputs()
    print(jax.jit(kernel)(*tuple(_d.values())))

</pallas_src>

<mosaic_0001>
#map = affine_map<(d0, d1) -> (0, 0)>
#map1 = affine_map<(d0, d1) -> (0, 0, 0)>
module attributes {stable_mosaic.version = 14 : i64} {
  func.func @_sc_gather(%arg0: i32, %arg1: i32, %arg2: memref<2048x128xf32, #tpu.memory_space<hbm>>, %arg3: memref<288x1x48xi32, #tpu.memory_space<hbm>>, %arg4: memref<13824x128xf32, #tpu.memory_space<hbm>>, %arg5: memref<9x1x48xi32, #tpu.memory_space<vmem>>, %arg6: memref<432x128xf32, #tpu.memory_space<vmem>>, %arg7: memref<!tpu.dma_semaphore, #tpu.memory_space<semaphore_mem>>) attributes {dimension_semantics = [#tpu.dimension_semantics<core_parallel>, #tpu.dimension_semantics<subcore_parallel>], iteration_bounds = array<i64: 2, 16>, scalar_prefetch = 0 : i64, scratch_operands = 3 : i64, tpu.core_type = #tpu.core_type<sc_vector_subcore>, window_params = [{transform_indices = #map}, {transform_indices = #map1}, {transform_indices = #map}]} {
    %mul3A = arith.constant 2 : i32
    %mul3A_0 = arith.muli %arg1, %mul3A : i32
    %add3A = arith.addi %mul3A_0, %arg0 : i32
    %mul3A_1 = arith.constant 432 : i32
    %mul3A_2 = arith.muli %add3A, %mul3A_1 : i32
    %jit3A = arith.constant 48 : i32
    %div3A = arith.divsi %mul3A_2, %jit3A : i32
    %sign3A = arith.constant 0 : i32
    %sign3A_3 = arith.cmpi sgt, %mul3A_2, %sign3A : i32
    %sign3A_4 = arith.extui %sign3A_3 : i1 to i32
    %sign3A_5 = arith.constant 0 : i32
    %sign3A_6 = arith.cmpi slt, %mul3A_2, %sign3A_5 : i32
    %sign3A_7 = arith.extui %sign3A_6 : i1 to i32
    %sign3A_8 = arith.subi %sign3A_4, %sign3A_7 : i32
    %sign3A_9 = arith.constant 0 : i32
    %sign3A_10 = arith.cmpi sgt, %jit3A, %sign3A_9 : i32
    %sign3A_11 = arith.extui %sign3A_10 : i1 to i32
    %sign3A_12 = arith.constant 0 : i32
    %sign3A_13 = arith.cmpi slt, %jit3A, %sign3A_12 : i32
    %sign3A_14 = arith.extui %sign3A_13 : i1 to i32
    %sign3A_15 = arith.subi %sign3A_11, %sign3A_14 : i32
    %ne3A = arith.cmpi ne, %sign3A_8, %sign3A_15 : i32
    %rem3A = arith.remsi %mul3A_2, %jit3A : i32
    %ne3A_16 = arith.constant 0 : i32
    %ne3A_17 = arith.cmpi ne, %rem3A, %ne3A_16 : i32
    %and3A = arith.andi %ne3A, %ne3A_17 : i1
    %sub3A = arith.constant 1 : i32
    %sub3A_18 = arith.subi %div3A, %sub3A : i32
    %select_n3A = arith.select %and3A, %sub3A_18, %div3A : i32
    "tpu.region"() ({
      %run_scoped3A = tpu.sem_alloc : memref<!tpu.dma_semaphore, #tpu.memory_space<semaphore_mem>>
      %dma_start3A_215 = arith.constant 0 : i32
      %dma_start3A_216 = arith.constant 0 : i32
      %dma_start3A_217 = tpu.memref_slice %arg3[%select_n3A, %dma_start3A_215, %dma_start3A_216] : memref<288x1x48xi32, #tpu.memory_space<hbm>> -> memref<9x1x48xi32, #tpu.memory_space<hbm>>
      %dma_start3A_218 = arith.constant 0 : i32
      %dma_start3A_219 = arith.constant 0 : i32
      %dma_start3A_220 = tpu.memref_slice %arg3[%select_n3A, %dma_start3A_218, %dma_start3A_219] : memref<288x1x48xi32, #tpu.memory_space<hbm>> -> memref<9x1x48xi32, #tpu.memory_space<hbm>>
      tpu.enqueue_dma source(%dma_start3A_220 : memref<9x1x48xi32, #tpu.memory_space<hbm>>) target(%arg5 : memref<9x1x48xi32, #tpu.memory_space<vmem>>) target_semaphore(%run_scoped3A : memref<!tpu.dma_semaphore, #tpu.memory_space<semaphore_mem>>)
      %dma_wait3A_221 = arith.constant 0 : i32
      %dma_wait3A_222 = arith.constant 0 : i32
      %dma_wait3A_223 = tpu.memref_slice %arg3[%select_n3A, %dma_wait3A_221, %dma_wait3A_222] : memref<288x1x48xi32, #tpu.memory_space<hbm>> -> memref<9x1x48xi32, #tpu.memory_space<hbm>>
      %dma_wait3A_224 = arith.constant 0 : i32
      %dma_wait3A_225 = arith.constant 0 : i32
      %dma_wait3A_226 = tpu.memref_slice %arg3[%select_n3A, %dma_wait3A_224, %dma_wait3A_225] : memref<288x1x48xi32, #tpu.memory_space<hbm>> -> memref<9x1x48xi32, #tpu.memory_space<hbm>>
      tpu.wait_dma2 semaphore(%run_scoped3A : memref<!tpu.dma_semaphore, #tpu.memory_space<semaphore_mem>>) src(%dma_wait3A_226 : memref<9x1x48xi32, #tpu.memory_space<hbm>>) dst(%arg5 : memref<9x1x48xi32, #tpu.memory_space<vmem>>)
      tpu.yield
    }) : () -> ()
    %dma_start3A = arith.constant 0 : i32
    %dma_start3A_19 = arith.constant 0 : i32
    %dma_start3A_20 = arith.constant 0 : i32
    %dma_start3A_21 = arith.constant 0 : i32
    %dma_start3A_22 = tpu.memref_slice %arg6[%dma_start3A_20, %dma_start3A_21] : memref<432x128xf32, #tpu.memory_space<vmem>> -> memref<48x128xf32, #tpu.memory_space<vmem>>
    %dma_start3A_23 = arith.constant 0 : i32
    %dma_start3A_24 = tpu.memref_slice %arg5[%dma_start3A, %dma_start3A_19, %dma_start3A_23] : memref<9x1x48xi32, #tpu.memory_space<vmem>> -> memref<1x1x48xi32, #tpu.memory_space<vmem>>
    %dma_start3A_25 = tpu.memref_squeeze %dma_start3A_24 : memref<1x1x48xi32, #tpu.memory_space<vmem>> -> memref<48xi32, #tpu.memory_space<vmem>>
    %dma_start3A_26 = arith.constant 0 : i32
    %dma_start3A_27 = arith.constant 0 : i32
    %dma_start3A_28 = tpu.memref_slice %arg2[%dma_start3A_26, %dma_start3A_27] : memref<2048x128xf32, #tpu.memory_space<hbm>> -> memref<2048x128xf32, #tpu.memory_space<hbm>>
    tpu.enqueue_indirect_dma source(%dma_start3A_28 : memref<2048x128xf32, #tpu.memory_space<hbm>>) target(%dma_start3A_22 : memref<48x128xf32, #tpu.memory_space<vmem>>) offsets(%dma_start3A_25 : memref<48xi32, #tpu.memory_space<vmem>>) semaphore(%arg7 : memref<!tpu.dma_semaphore, #tpu.memory_space<semaphore_mem>>)
    %dma_start3A_29 = arith.constant 1 : i32
    %dma_start3A_30 = arith.constant 0 : i32
    %dma_start3A_31 = arith.constant 48 : i32
    %dma_start3A_32 = arith.constant 0 : i32
    %dma_start3A_33 = tpu.memref_slice %arg6[%dma_start3A_31, %dma_start3A_32] : memref<432x128xf32, #tpu.memory_space<vmem>> -> memref<48x128xf32, #tpu.memory_space<vmem>>
    %dma_start3A_34 = arith.constant 0 : i32
    %dma_start3A_35 = tpu.memref_slice %arg5[%dma_start3A_29, %dma_start3A_30, %dma_start3A_34] : memref<9x1x48xi32, #tpu.memory_space<vmem>> -> memref<1x1x48xi32, #tpu.memory_space<vmem>>
    %dma_start3A_36 = tpu.memref_squeeze %dma_start3A_35 : memref<1x1x48xi32, #tpu.memory_space<vmem>> -> memref<48xi32, #tpu.memory_space<vmem>>
    %dma_start3A_37 = arith.constant 0 : i32
    %dma_start3A_38 = arith.constant 0 : i32
    %dma_start3A_39 = tpu.memref_slice %arg2[%dma_start3A_37, %dma_start3A_38] : memref<2048x128xf32, #tpu.memory_space<hbm>> -> memref<2048x128xf32, #tpu.memory_space<hbm>>
    tpu.enqueue_indirect_dma source(%dma_start3A_39 : memref<2048x128xf32, #tpu.memory_space<hbm>>) target(%dma_start3A_33 : memref<48x128xf32, #tpu.memory_space<vmem>>) offsets(%dma_start3A_36 : memref<48xi32, #tpu.memory_space<vmem>>) semaphore(%arg7 : memref<!tpu.dma_semaphore, #tpu.memory_space<semaphore_mem>>)
    %dma_start3A_40 = arith.constant 2 : i32
    %dma_start3A_41 = arith.constant 0 : i32
    %dma_start3A_42 = arith.constant 96 : i32
    %dma_start3A_43 = arith.constant 0 : i32
    %dma_start3A_44 = tpu.memref_slice %arg6[%dma_start3A_42, %dma_start3A_43] : memref<432x128xf32, #tpu.memory_space<vmem>> -> memref<48x128xf32, #tpu.memory_space<vmem>>
    %dma_start3A_45 = arith.constant 0 : i32
    %dma_start3A_46 = tpu.memref_slice %arg5[%dma_start3A_40, %dma_start3A_41, %dma_start3A_45] : memref<9x1x48xi32, #tpu.memory_space<vmem>> -> memref<1x1x48xi32, #tpu.memory_space<vmem>>
    %dma_start3A_47 = tpu.memref_squeeze %dma_start3A_46 : memref<1x1x48xi32, #tpu.memory_space<vmem>> -> memref<48xi32, #tpu.memory_space<vmem>>
    %dma_start3A_48 = arith.constant 0 : i32
    %dma_start3A_49 = arith.constant 0 : i32
    %dma_start3A_50 = tpu.memref_slice %arg2[%dma_start3A_48, %dma_start3A_49] : memref<2048x128xf32, #tpu.memory_space<hbm>> -> memref<2048x128xf32, #tpu.memory_space<hbm>>
    tpu.enqueue_indirect_dma source(%dma_start3A_50 : memref<2048x128xf32, #tpu.memory_space<hbm>>) target(%dma_start3A_44 : memref<48x128xf32, #tpu.memory_space<vmem>>) offsets(%dma_start3A_47 : memref<48xi32, #tpu.memory_space<vmem>>) semaphore(%arg7 : memref<!tpu.dma_semaphore, #tpu.memory_space<semaphore_mem>>)
    %dma_start3A_51 = arith.constant 3 : i32
    %dma_start3A_52 = arith.constant 0 : i32
    %dma_start3A_53 = arith.constant 144 : i32
    %dma_start3A_54 = arith.constant 0 : i32
    %dma_start3A_55 = tpu.memref_slice %arg6[%dma_start3A_53, %dma_start3A_54] : memref<432x128xf32, #tpu.memory_space<vmem>> -> memref<48x128xf32, #tpu.memory_space<vmem>>
    %dma_start3A_56 = arith.constant 0 : i32
    %dma_start3A_57 = tpu.memref_slice %arg5[%dma_start3A_51, %dma_start3A_52, %dma_start3A_56] : memref<9x1x48xi32, #tpu.memory_space<vmem>> -> memref<1x1x48xi32, #tpu.memory_space<vmem>>
    %dma_start3A_58 = tpu.memref_squeeze %dma_start3A_57 : memref<1x1x48xi32, #tpu.memory_space<vmem>> -> memref<48xi32, #tpu.memory_space<vmem>>
    %dma_start3A_59 = arith.constant 0 : i32
    %dma_start3A_60 = arith.constant 0 : i32
    %dma_start3A_61 = tpu.memref_slice %arg2[%dma_start3A_59, %dma_start3A_60] : memref<2048x128xf32, #tpu.memory_space<hbm>> -> memref<2048x128xf32, #tpu.memory_space<hbm>>
    tpu.enqueue_indirect_dma source(%dma_start3A_61 : memref<2048x128xf32, #tpu.memory_space<hbm>>) target(%dma_start3A_55 : memref<48x128xf32, #tpu.memory_space<vmem>>) offsets(%dma_start3A_58 : memref<48xi32, #tpu.memory_space<vmem>>) semaphore(%arg7 : memref<!tpu.dma_semaphore, #tpu.memory_space<semaphore_mem>>)
    %dma_start3A_62 = arith.constant 4 : i32
    %dma_start3A_63 = arith.constant 0 : i32
    %dma_start3A_64 = arith.constant 192 : i32
    %dma_start3A_65 = arith.constant 0 : i32
    %dma_start3A_66 = tpu.memref_slice %arg6[%dma_start3A_64, %dma_start3A_65] : memref<432x128xf32, #tpu.memory_space<vmem>> -> memref<48x128xf32, #tpu.memory_space<vmem>>
    %dma_start3A_67 = arith.constant 0 : i32
    %dma_start3A_68 = tpu.memref_slice %arg5[%dma_start3A_62, %dma_start3A_63, %dma_start3A_67] : memref<9x1x48xi32, #tpu.memory_space<vmem>> -> memref<1x1x48xi32, #tpu.memory_space<vmem>>
    %dma_start3A_69 = tpu.memref_squeeze %dma_start3A_68 : memref<1x1x48xi32, #tpu.memory_space<vmem>> -> memref<48xi32, #tpu.memory_space<vmem>>
    %dma_start3A_70 = arith.constant 0 : i32
    %dma_start3A_71 = arith.constant 0 : i32
    %dma_start3A_72 = tpu.memref_slice %arg2[%dma_start3A_70, %dma_start3A_71] : memref<2048x128xf32, #tpu.memory_space<hbm>> -> memref<2048x128xf32, #tpu.memory_space<hbm>>
    tpu.enqueue_indirect_dma source(%dma_start3A_72 : memref<2048x128xf32, #tpu.memory_space<hbm>>) target(%dma_start3A_66 : memref<48x128xf32, #tpu.memory_space<vmem>>) offsets(%dma_start3A_69 : memref<48xi32, #tpu.memory_space<vmem>>) semaphore(%arg7 : memref<!tpu.dma_semaphore, #tpu.memory_space<semaphore_mem>>)
    %dma_start3A_73 = arith.constant 5 : i32
    %dma_start3A_74 = arith.constant 0 : i32
    %dma_start3A_75 = arith.constant 240 : i32
    %dma_start3A_76 = arith.constant 0 : i32
    %dma_start3A_77 = tpu.memref_slice %arg6[%dma_start3A_75, %dma_start3A_76] : memref<432x128xf32, #tpu.memory_space<vmem>> -> memref<48x128xf32, #tpu.memory_space<vmem>>
    %dma_start3A_78 = arith.constant 0 : i32
    %dma_start3A_79 = tpu.memref_slice %arg5[%dma_start3A_73, %dma_start3A_74, %dma_start3A_78] : memref<9x1x48xi32, #tpu.memory_space<vmem>> -> memref<1x1x48xi32, #tpu.memory_space<vmem>>
    %dma_start3A_80 = tpu.memref_squeeze %dma_start3A_79 : memref<1x1x48xi32, #tpu.memory_space<vmem>> -> memref<48xi32, #tpu.memory_space<vmem>>
    %dma_start3A_81 = arith.constant 0 : i32
    %dma_start3A_82 = arith.constant 0 : i32
    %dma_start3A_83 = tpu.memref_slice %arg2[%dma_start3A_81, %dma_start3A_82] : memref<2048x128xf32, #tpu.memory_space<hbm>> -> memref<2048x128xf32, #tpu.memory_space<hbm>>
    tpu.enqueue_indirect_dma source(%dma_start3A_83 : memref<2048x128xf32, #tpu.memory_space<hbm>>) target(%dma_start3A_77 : memref<48x128xf32, #tpu.memory_space<vmem>>) offsets(%dma_start3A_80 : memref<48xi32, #tpu.memory_space<vmem>>) semaphore(%arg7 : memref<!tpu.dma_semaphore, #tpu.memory_space<semaphore_mem>>)
    %dma_start3A_84 = arith.constant 6 : i32
    %dma_start3A_85 = arith.constant 0 : i32
    %dma_start3A_86 = arith.constant 288 : i32
    %dma_start3A_87 = arith.constant 0 : i32
    %dma_start3A_88 = tpu.memref_slice %arg6[%dma_start3A_86, %dma_start3A_87] : memref<432x128xf32, #tpu.memory_space<vmem>> -> memref<48x128xf32, #tpu.memory_space<vmem>>
    %dma_start3A_89 = arith.constant 0 : i32
    %dma_start3A_90 = tpu.memref_slice %arg5[%dma_start3A_84, %dma_start3A_85, %dma_start3A_89] : memref<9x1x48xi32, #tpu.memory_space<vmem>> -> memref<1x1x48xi32, #tpu.memory_space<vmem>>
    %dma_start3A_91 = tpu.memref_squeeze %dma_start3A_90 : memref<1x1x48xi32, #tpu.memory_space<vmem>> -> memref<48xi32, #tpu.memory_space<vmem>>
    %dma_start3A_92 = arith.constant 0 : i32
    %dma_start3A_93 = arith.constant 0 : i32
    %dma_start3A_94 = tpu.memref_slice %arg2[%dma_start3A_92, %dma_start3A_93] : memref<2048x128xf32, #tpu.memory_space<hbm>> -> memref<2048x128xf32, #tpu.memory_space<hbm>>
    tpu.enqueue_indirect_dma source(%dma_start3A_94 : memref<2048x128xf32, #tpu.memory_space<hbm>>) target(%dma_start3A_88 : memref<48x128xf32, #tpu.memory_space<vmem>>) offsets(%dma_start3A_91 : memref<48xi32, #tpu.memory_space<vmem>>) semaphore(%arg7 : memref<!tpu.dma_semaphore, #tpu.memory_space<semaphore_mem>>)
    %dma_start3A_95 = arith.constant 7 : i32
    %dma_start3A_96 = arith.constant 0 : i32
    %dma_start3A_97 = arith.constant 336 : i32
    %dma_start3A_98 = arith.constant 0 : i32
    %dma_start3A_99 = tpu.memref_slice %arg6[%dma_start3A_97, %dma_start3A_98] : memref<432x128xf32, #tpu.memory_space<vmem>> -> memref<48x128xf32, #tpu.memory_space<vmem>>
    %dma_start3A_100 = arith.constant 0 : i32
    %dma_start3A_101 = tpu.memref_slice %arg5[%dma_start3A_95, %dma_start3A_96, %dma_start3A_100] : memref<9x1x48xi32, #tpu.memory_space<vmem>> -> memref<1x1x48xi32, #tpu.memory_space<vmem>>
    %dma_start3A_102 = tpu.memref_squeeze %dma_start3A_101 : memref<1x1x48xi32, #tpu.memory_space<vmem>> -> memref<48xi32, #tpu.memory_space<vmem>>
    %dma_start3A_103 = arith.constant 0 : i32
    %dma_start3A_104 = arith.constant 0 : i32
    %dma_start3A_105 = tpu.memref_slice %arg2[%dma_start3A_103, %dma_start3A_104] : memref<2048x128xf32, #tpu.memory_space<hbm>> -> memref<2048x128xf32, #tpu.memory_space<hbm>>
    tpu.enqueue_indirect_dma source(%dma_start3A_105 : memref<2048x128xf32, #tpu.memory_space<hbm>>) target(%dma_start3A_99 : memref<48x128xf32, #tpu.memory_space<vmem>>) offsets(%dma_start3A_102 : memref<48xi32, #tpu.memory_space<vmem>>) semaphore(%arg7 : memref<!tpu.dma_semaphore, #tpu.memory_space<semaphore_mem>>)
    %dma_start3A_106 = arith.constant 8 : i32
    %dma_start3A_107 = arith.constant 0 : i32
    %dma_start3A_108 = arith.constant 384 : i32
    %dma_start3A_109 = arith.constant 0 : i32
    %dma_start3A_110 = tpu.memref_slice %arg6[%dma_start3A_108, %dma_start3A_109] : memref<432x128xf32, #tpu.memory_space<vmem>> -> memref<48x128xf32, #tpu.memory_space<vmem>>
    %dma_start3A_111 = arith.constant 0 : i32
    %dma_start3A_112 = tpu.memref_slice %arg5[%dma_start3A_106, %dma_start3A_107, %dma_start3A_111] : memref<9x1x48xi32, #tpu.memory_space<vmem>> -> memref<1x1x48xi32, #tpu.memory_space<vmem>>
    %dma_start3A_113 = tpu.memref_squeeze %dma_start3A_112 : memref<1x1x48xi32, #tpu.memory_space<vmem>> -> memref<48xi32, #tpu.memory_space<vmem>>
    %dma_start3A_114 = arith.constant 0 : i32
    %dma_start3A_115 = arith.constant 0 : i32
    %dma_start3A_116 = tpu.memref_slice %arg2[%dma_start3A_114, %dma_start3A_115] : memref<2048x128xf32, #tpu.memory_space<hbm>> -> memref<2048x128xf32, #tpu.memory_space<hbm>>
    tpu.enqueue_indirect_dma source(%dma_start3A_116 : memref<2048x128xf32, #tpu.memory_space<hbm>>) target(%dma_start3A_110 : memref<48x128xf32, #tpu.memory_space<vmem>>) offsets(%dma_start3A_113 : memref<48xi32, #tpu.memory_space<vmem>>) semaphore(%arg7 : memref<!tpu.dma_semaphore, #tpu.memory_space<semaphore_mem>>)
    %dma_wait3A = arith.constant 0 : i32
    %dma_wait3A_117 = arith.constant 0 : i32
    %dma_wait3A_118 = arith.constant 0 : i32
    %dma_wait3A_119 = arith.constant 0 : i32
    %dma_wait3A_120 = tpu.memref_slice %arg6[%dma_wait3A_118, %dma_wait3A_119] : memref<432x128xf32, #tpu.memory_space<vmem>> -> memref<48x128xf32, #tpu.memory_space<vmem>>
    %dma_wait3A_121 = arith.constant 0 : i32
    %dma_wait3A_122 = tpu.memref_slice %arg5[%dma_wait3A, %dma_wait3A_117, %dma_wait3A_121] : memref<9x1x48xi32, #tpu.memory_space<vmem>> -> memref<1x1x48xi32, #tpu.memory_space<vmem>>
    %dma_wait3A_123 = tpu.memref_squeeze %dma_wait3A_122 : memref<1x1x48xi32, #tpu.memory_space<vmem>> -> memref<48xi32, #tpu.memory_space<vmem>>
    %dma_wait3A_124 = arith.constant 0 : i32
    %dma_wait3A_125 = arith.constant 0 : i32
    %dma_wait3A_126 = tpu.memref_slice %arg2[%dma_wait3A_124, %dma_wait3A_125] : memref<2048x128xf32, #tpu.memory_space<hbm>> -> memref<2048x128xf32, #tpu.memory_space<hbm>>
    tpu.wait_indirect_dma semaphore(%arg7 : memref<!tpu.dma_semaphore, #tpu.memory_space<semaphore_mem>>) src(%dma_wait3A_126 : memref<2048x128xf32, #tpu.memory_space<hbm>>) dst(%dma_wait3A_120 : memref<48x128xf32, #tpu.memory_space<vmem>>)
    %dma_wait3A_127 = arith.constant 1 : i32
    %dma_wait3A_128 = arith.constant 0 : i32
    %dma_wait3A_129 = arith.constant 48 : i32
    %dma_wait3A_130 = arith.constant 0 : i32
    %dma_wait3A_131 = tpu.memref_slice %arg6[%dma_wait3A_129, %dma_wait3A_130] : memref<432x128xf32, #tpu.memory_space<vmem>> -> memref<48x128xf32, #tpu.memory_space<vmem>>
    %dma_wait3A_132 = arith.constant 0 : i32
    %dma_wait3A_133 = tpu.memref_slice %arg5[%dma_wait3A_127, %dma_wait3A_128, %dma_wait3A_132] : memref<9x1x48xi32, #tpu.memory_space<vmem>> -> memref<1x1x48xi32, #tpu.memory_space<vmem>>
    %dma_wait3A_134 = tpu.memref_squeeze %dma_wait3A_133 : memref<1x1x48xi32, #tpu.memory_space<vmem>> -> memref<48xi32, #tpu.memory_space<vmem>>
    %dma_wait3A_135 = arith.constant 0 : i32
    %dma_wait3A_136 = arith.constant 0 : i32
    %dma_wait3A_137 = tpu.memref_slice %arg2[%dma_wait3A_135, %dma_wait3A_136] : memref<2048x128xf32, #tpu.memory_space<hbm>> -> memref<2048x128xf32, #tpu.memory_space<hbm>>
    tpu.wait_indirect_dma semaphore(%arg7 : memref<!tpu.dma_semaphore, #tpu.memory_space<semaphore_mem>>) src(%dma_wait3A_137 : memref<2048x128xf32, #tpu.memory_space<hbm>>) dst(%dma_wait3A_131 : memref<48x128xf32, #tpu.memory_space<vmem>>)
    %dma_wait3A_138 = arith.constant 2 : i32
    %dma_wait3A_139 = arith.constant 0 : i32
    %dma_wait3A_140 = arith.constant 96 : i32
    %dma_wait3A_141 = arith.constant 0 : i32
    %dma_wait3A_142 = tpu.memref_slice %arg6[%dma_wait3A_140, %dma_wait3A_141] : memref<432x128xf32, #tpu.memory_space<vmem>> -> memref<48x128xf32, #tpu.memory_space<vmem>>
    %dma_wait3A_143 = arith.constant 0 : i32
    %dma_wait3A_144 = tpu.memref_slice %arg5[%dma_wait3A_138, %dma_wait3A_139, %dma_wait3A_143] : memref<9x1x48xi32, #tpu.memory_space<vmem>> -> memref<1x1x48xi32, #tpu.memory_space<vmem>>
    %dma_wait3A_145 = tpu.memref_squeeze %dma_wait3A_144 : memref<1x1x48xi32, #tpu.memory_space<vmem>> -> memref<48xi32, #tpu.memory_space<vmem>>
    %dma_wait3A_146 = arith.constant 0 : i32
    %dma_wait3A_147 = arith.constant 0 : i32
    %dma_wait3A_148 = tpu.memref_slice %arg2[%dma_wait3A_146, %dma_wait3A_147] : memref<2048x128xf32, #tpu.memory_space<hbm>> -> memref<2048x128xf32, #tpu.memory_space<hbm>>
    tpu.wait_indirect_dma semaphore(%arg7 : memref<!tpu.dma_semaphore, #tpu.memory_space<semaphore_mem>>) src(%dma_wait3A_148 : memref<2048x128xf32, #tpu.memory_space<hbm>>) dst(%dma_wait3A_142 : memref<48x128xf32, #tpu.memory_space<vmem>>)
    %dma_wait3A_149 = arith.constant 3 : i32
    %dma_wait3A_150 = arith.constant 0 : i32
    %dma_wait3A_151 = arith.constant 144 : i32
    %dma_wait3A_152 = arith.constant 0 : i32
    %dma_wait3A_153 = tpu.memref_slice %arg6[%dma_wait3A_151, %dma_wait3A_152] : memref<432x128xf32, #tpu.memory_space<vmem>> -> memref<48x128xf32, #tpu.memory_space<vmem>>
    %dma_wait3A_154 = arith.constant 0 : i32
    %dma_wait3A_155 = tpu.memref_slice %arg5[%dma_wait3A_149, %dma_wait3A_150, %dma_wait3A_154] : memref<9x1x48xi32, #tpu.memory_space<vmem>> -> memref<1x1x48xi32, #tpu.memory_space<vmem>>
    %dma_wait3A_156 = tpu.memref_squeeze %dma_wait3A_155 : memref<1x1x48xi32, #tpu.memory_space<vmem>> -> memref<48xi32, #tpu.memory_space<vmem>>
    %dma_wait3A_157 = arith.constant 0 : i32
    %dma_wait3A_158 = arith.constant 0 : i32
    %dma_wait3A_159 = tpu.memref_slice %arg2[%dma_wait3A_157, %dma_wait3A_158] : memref<2048x128xf32, #tpu.memory_space<hbm>> -> memref<2048x128xf32, #tpu.memory_space<hbm>>
    tpu.wait_indirect_dma semaphore(%arg7 : memref<!tpu.dma_semaphore, #tpu.memory_space<semaphore_mem>>) src(%dma_wait3A_159 : memref<2048x128xf32, #tpu.memory_space<hbm>>) dst(%dma_wait3A_153 : memref<48x128xf32, #tpu.memory_space<vmem>>)
    %dma_wait3A_160 = arith.constant 4 : i32
    %dma_wait3A_161 = arith.constant 0 : i32
    %dma_wait3A_162 = arith.constant 192 : i32
    %dma_wait3A_163 = arith.constant 0 : i32
    %dma_wait3A_164 = tpu.memref_slice %arg6[%dma_wait3A_162, %dma_wait3A_163] : memref<432x128xf32, #tpu.memory_space<vmem>> -> memref<48x128xf32, #tpu.memory_space<vmem>>
    %dma_wait3A_165 = arith.constant 0 : i32
    %dma_wait3A_166 = tpu.memref_slice %arg5[%dma_wait3A_160, %dma_wait3A_161, %dma_wait3A_165] : memref<9x1x48xi32, #tpu.memory_space<vmem>> -> memref<1x1x48xi32, #tpu.memory_space<vmem>>
    %dma_wait3A_167 = tpu.memref_squeeze %dma_wait3A_166 : memref<1x1x48xi32, #tpu.memory_space<vmem>> -> memref<48xi32, #tpu.memory_space<vmem>>
    %dma_wait3A_168 = arith.constant 0 : i32
    %dma_wait3A_169 = arith.constant 0 : i32
    %dma_wait3A_170 = tpu.memref_slice %arg2[%dma_wait3A_168, %dma_wait3A_169] : memref<2048x128xf32, #tpu.memory_space<hbm>> -> memref<2048x128xf32, #tpu.memory_space<hbm>>
    tpu.wait_indirect_dma semaphore(%arg7 : memref<!tpu.dma_semaphore, #tpu.memory_space<semaphore_mem>>) src(%dma_wait3A_170 : memref<2048x128xf32, #tpu.memory_space<hbm>>) dst(%dma_wait3A_164 : memref<48x128xf32, #tpu.memory_space<vmem>>)
    %dma_wait3A_171 = arith.constant 5 : i32
    %dma_wait3A_172 = arith.constant 0 : i32
    %dma_wait3A_173 = arith.constant 240 : i32
    %dma_wait3A_174 = arith.constant 0 : i32
    %dma_wait3A_175 = tpu.memref_slice %arg6[%dma_wait3A_173, %dma_wait3A_174] : memref<432x128xf32, #tpu.memory_space<vmem>> -> memref<48x128xf32, #tpu.memory_space<vmem>>
    %dma_wait3A_176 = arith.constant 0 : i32
    %dma_wait3A_177 = tpu.memref_slice %arg5[%dma_wait3A_171, %dma_wait3A_172, %dma_wait3A_176] : memref<9x1x48xi32, #tpu.memory_space<vmem>> -> memref<1x1x48xi32, #tpu.memory_space<vmem>>
    %dma_wait3A_178 = tpu.memref_squeeze %dma_wait3A_177 : memref<1x1x48xi32, #tpu.memory_space<vmem>> -> memref<48xi32, #tpu.memory_space<vmem>>
    %dma_wait3A_179 = arith.constant 0 : i32
    %dma_wait3A_180 = arith.constant 0 : i32
    %dma_wait3A_181 = tpu.memref_slice %arg2[%dma_wait3A_179, %dma_wait3A_180] : memref<2048x128xf32, #tpu.memory_space<hbm>> -> memref<2048x128xf32, #tpu.memory_space<hbm>>
    tpu.wait_indirect_dma semaphore(%arg7 : memref<!tpu.dma_semaphore, #tpu.memory_space<semaphore_mem>>) src(%dma_wait3A_181 : memref<2048x128xf32, #tpu.memory_space<hbm>>) dst(%dma_wait3A_175 : memref<48x128xf32, #tpu.memory_space<vmem>>)
    %dma_wait3A_182 = arith.constant 6 : i32
    %dma_wait3A_183 = arith.constant 0 : i32
    %dma_wait3A_184 = arith.constant 288 : i32
    %dma_wait3A_185 = arith.constant 0 : i32
    %dma_wait3A_186 = tpu.memref_slice %arg6[%dma_wait3A_184, %dma_wait3A_185] : memref<432x128xf32, #tpu.memory_space<vmem>> -> memref<48x128xf32, #tpu.memory_space<vmem>>
    %dma_wait3A_187 = arith.constant 0 : i32
    %dma_wait3A_188 = tpu.memref_slice %arg5[%dma_wait3A_182, %dma_wait3A_183, %dma_wait3A_187] : memref<9x1x48xi32, #tpu.memory_space<vmem>> -> memref<1x1x48xi32, #tpu.memory_space<vmem>>
    %dma_wait3A_189 = tpu.memref_squeeze %dma_wait3A_188 : memref<1x1x48xi32, #tpu.memory_space<vmem>> -> memref<48xi32, #tpu.memory_space<vmem>>
    %dma_wait3A_190 = arith.constant 0 : i32
    %dma_wait3A_191 = arith.constant 0 : i32
    %dma_wait3A_192 = tpu.memref_slice %arg2[%dma_wait3A_190, %dma_wait3A_191] : memref<2048x128xf32, #tpu.memory_space<hbm>> -> memref<2048x128xf32, #tpu.memory_space<hbm>>
    tpu.wait_indirect_dma semaphore(%arg7 : memref<!tpu.dma_semaphore, #tpu.memory_space<semaphore_mem>>) src(%dma_wait3A_192 : memref<2048x128xf32, #tpu.memory_space<hbm>>) dst(%dma_wait3A_186 : memref<48x128xf32, #tpu.memory_space<vmem>>)
    %dma_wait3A_193 = arith.constant 7 : i32
    %dma_wait3A_194 = arith.constant 0 : i32
    %dma_wait3A_195 = arith.constant 336 : i32
    %dma_wait3A_196 = arith.constant 0 : i32
    %dma_wait3A_197 = tpu.memref_slice %arg6[%dma_wait3A_195, %dma_wait3A_196] : memref<432x128xf32, #tpu.memory_space<vmem>> -> memref<48x128xf32, #tpu.memory_space<vmem>>
    %dma_wait3A_198 = arith.constant 0 : i32
    %dma_wait3A_199 = tpu.memref_slice %arg5[%dma_wait3A_193, %dma_wait3A_194, %dma_wait3A_198] : memref<9x1x48xi32, #tpu.memory_space<vmem>> -> memref<1x1x48xi32, #tpu.memory_space<vmem>>
    %dma_wait3A_200 = tpu.memref_squeeze %dma_wait3A_199 : memref<1x1x48xi32, #tpu.memory_space<vmem>> -> memref<48xi32, #tpu.memory_space<vmem>>
    %dma_wait3A_201 = arith.constant 0 : i32
    %dma_wait3A_202 = arith.constant 0 : i32
    %dma_wait3A_203 = tpu.memref_slice %arg2[%dma_wait3A_201, %dma_wait3A_202] : memref<2048x128xf32, #tpu.memory_space<hbm>> -> memref<2048x128xf32, #tpu.memory_space<hbm>>
    tpu.wait_indirect_dma semaphore(%arg7 : memref<!tpu.dma_semaphore, #tpu.memory_space<semaphore_mem>>) src(%dma_wait3A_203 : memref<2048x128xf32, #tpu.memory_space<hbm>>) dst(%dma_wait3A_197 : memref<48x128xf32, #tpu.memory_space<vmem>>)
    %dma_wait3A_204 = arith.constant 8 : i32
    %dma_wait3A_205 = arith.constant 0 : i32
    %dma_wait3A_206 = arith.constant 384 : i32
    %dma_wait3A_207 = arith.constant 0 : i32
    %dma_wait3A_208 = tpu.memref_slice %arg6[%dma_wait3A_206, %dma_wait3A_207] : memref<432x128xf32, #tpu.memory_space<vmem>> -> memref<48x128xf32, #tpu.memory_space<vmem>>
    %dma_wait3A_209 = arith.constant 0 : i32
    %dma_wait3A_210 = tpu.memref_slice %arg5[%dma_wait3A_204, %dma_wait3A_205, %dma_wait3A_209] : memref<9x1x48xi32, #tpu.memory_space<vmem>> -> memref<1x1x48xi32, #tpu.memory_space<vmem>>
    %dma_wait3A_211 = tpu.memref_squeeze %dma_wait3A_210 : memref<1x1x48xi32, #tpu.memory_space<vmem>> -> memref<48xi32, #tpu.memory_space<vmem>>
    %dma_wait3A_212 = arith.constant 0 : i32
    %dma_wait3A_213 = arith.constant 0 : i32
    %dma_wait3A_214 = tpu.memref_slice %arg2[%dma_wait3A_212, %dma_wait3A_213] : memref<2048x128xf32, #tpu.memory_space<hbm>> -> memref<2048x128xf32, #tpu.memory_space<hbm>>
    tpu.wait_indirect_dma semaphore(%arg7 : memref<!tpu.dma_semaphore, #tpu.memory_space<semaphore_mem>>) src(%dma_wait3A_214 : memref<2048x128xf32, #tpu.memory_space<hbm>>) dst(%dma_wait3A_208 : memref<48x128xf32, #tpu.memory_space<vmem>>)
    "tpu.region"() ({
      %run_scoped3A = tpu.sem_alloc : memref<!tpu.dma_semaphore, #tpu.memory_space<semaphore_mem>>
      %dma_start3A_215 = arith.constant 0 : i32
      %dma_start3A_216 = tpu.memref_slice %arg4[%mul3A_2, %dma_start3A_215] : memref<13824x128xf32, #tpu.memory_space<hbm>> -> memref<432x128xf32, #tpu.memory_space<hbm>>
      %dma_start3A_217 = arith.constant 0 : i32
      %dma_start3A_218 = tpu.memref_slice %arg4[%mul3A_2, %dma_start3A_217] : memref<13824x128xf32, #tpu.memory_space<hbm>> -> memref<432x128xf32, #tpu.memory_space<hbm>>
      tpu.enqueue_dma source(%arg6 : memref<432x128xf32, #tpu.memory_space<vmem>>) target(%dma_start3A_218 : memref<432x128xf32, #tpu.memory_space<hbm>>) target_semaphore(%run_scoped3A : memref<!tpu.dma_semaphore, #tpu.memory_space<semaphore_mem>>)
      %dma_wait3A_219 = arith.constant 0 : i32
      %dma_wait3A_220 = tpu.memref_slice %arg4[%mul3A_2, %dma_wait3A_219] : memref<13824x128xf32, #tpu.memory_space<hbm>> -> memref<432x128xf32, #tpu.memory_space<hbm>>
      %dma_wait3A_221 = arith.constant 0 : i32
      %dma_wait3A_222 = tpu.memref_slice %arg4[%mul3A_2, %dma_wait3A_221] : memref<13824x128xf32, #tpu.memory_space<hbm>> -> memref<432x128xf32, #tpu.memory_space<hbm>>
      tpu.wait_dma2 semaphore(%run_scoped3A : memref<!tpu.dma_semaphore, #tpu.memory_space<semaphore_mem>>) src(%arg6 : memref<432x128xf32, #tpu.memory_space<vmem>>) dst(%dma_wait3A_222 : memref<432x128xf32, #tpu.memory_space<hbm>>)
      tpu.yield
    }) : () -> ()
    return
  }
}

#map = affine_map<(d0, d1) -> (0, 0)>
#map1 = affine_map<(d0, d1) -> (0, 0, 0)>
module attributes {stable_mosaic.version = 14 : i64} {
  func.func @_sc_gather(%arg0: i32, %arg1: i32, %arg2: memref<2048x128xf32, #tpu.memory_space<hbm>>, %arg3: memref<288x1x48xi32, #tpu.memory_space<hbm>>, %arg4: memref<13824x128xf32, #tpu.memory_space<hbm>>, %arg5: memref<9x1x48xi32, #tpu.memory_space<vmem>>, %arg6: memref<432x128xf32, #tpu.memory_space<vmem>>, %arg7: memref<!tpu.dma_semaphore, #tpu.memory_space<semaphore_mem>>) attributes {dimension_semantics = [#tpu.dimension_semantics<core_parallel>, #tpu.dimension_semantics<subcore_parallel>], iteration_bounds = array<i64: 2, 16>, scalar_prefetch = 0 : i64, scratch_operands = 3 : i64, tpu.core_type = #tpu.core_type<sc_vector_subcore>, window_params = [{transform_indices = #map}, {transform_indices = #map1}, {transform_indices = #map}]} {
    %mul3A = arith.constant 2 : i32
    %mul3A_0 = arith.muli %arg1, %mul3A : i32
    %add3A = arith.addi %mul3A_0, %arg0 : i32
    %mul3A_1 = arith.constant 432 : i32
    %mul3A_2 = arith.muli %add3A, %mul3A_1 : i32
    %jit3A = arith.constant 48 : i32
    %div3A = arith.divsi %mul3A_2, %jit3A : i32
    %sign3A = arith.constant 0 : i32
    %sign3A_3 = arith.cmpi sgt, %mul3A_2, %sign3A : i32
    %sign3A_4 = arith.extui %sign3A_3 : i1 to i32
    %sign3A_5 = arith.constant 0 : i32
    %sign3A_6 = arith.cmpi slt, %mul3A_2, %sign3A_5 : i32
    %sign3A_7 = arith.extui %sign3A_6 : i1 to i32
    %sign3A_8 = arith.subi %sign3A_4, %sign3A_7 : i32
    %sign3A_9 = arith.constant 0 : i32
    %sign3A_10 = arith.cmpi sgt, %jit3A, %sign3A_9 : i32
    %sign3A_11 = arith.extui %sign3A_10 : i1 to i32
    %sign3A_12 = arith.constant 0 : i32
    %sign3A_13 = arith.cmpi slt, %jit3A, %sign3A_12 : i32
    %sign3A_14 = arith.extui %sign3A_13 : i1 to i32
    %sign3A_15 = arith.subi %sign3A_11, %sign3A_14 : i32
    %ne3A = arith.cmpi ne, %sign3A_8, %sign3A_15 : i32
    %rem3A = arith.remsi %mul3A_2, %jit3A : i32
    %ne3A_16 = arith.constant 0 : i32
    %ne3A_17 = arith.cmpi ne, %rem3A, %ne3A_16 : i32
    %and3A = arith.andi %ne3A, %ne3A_17 : i1
    %sub3A = arith.constant 1 : i32
    %sub3A_18 = arith.subi %div3A, %sub3A : i32
    %select_n3A = arith.select %and3A, %sub3A_18, %div3A : i32
    "tpu.region"() ({
      %run_scoped3A = tpu.sem_alloc : memref<!tpu.dma_semaphore, #tpu.memory_space<semaphore_mem>>
      %dma_start3A_215 = arith.constant 0 : i32
      %dma_start3A_216 = arith.constant 0 : i32
      %dma_start3A_217 = tpu.memref_slice %arg3[%select_n3A, %dma_start3A_215, %dma_start3A_216] : memref<288x1x48xi32, #tpu.memory_space<hbm>> -> memref<9x1x48xi32, #tpu.memory_space<hbm>>
      %dma_start3A_218 = arith.constant 0 : i32
      %dma_start3A_219 = arith.constant 0 : i32
      %dma_start3A_220 = tpu.memref_slice %arg3[%select_n3A, %dma_start3A_218, %dma_start3A_219] : memref<288x1x48xi32, #tpu.memory_space<hbm>> -> memref<9x1x48xi32, #tpu.memory_space<hbm>>
      tpu.enqueue_dma source(%dma_start3A_220 : memref<9x1x48xi32, #tpu.memory_space<hbm>>) target(%arg5 : memref<9x1x48xi32, #tpu.memory_space<vmem>>) target_semaphore(%run_scoped3A : memref<!tpu.dma_semaphore, #tpu.memory_space<semaphore_mem>>)
      %dma_wait3A_221 = arith.constant 0 : i32
      %dma_wait3A_222 = arith.constant 0 : i32
      %dma_wait3A_223 = tpu.memref_slice %arg3[%select_n3A, %dma_wait3A_221, %dma_wait3A_222] : memref<288x1x48xi32, #tpu.memory_space<hbm>> -> memref<9x1x48xi32, #tpu.memory_space<hbm>>
      %dma_wait3A_224 = arith.constant 0 : i32
      %dma_wait3A_225 = arith.constant 0 : i32
      %dma_wait3A_226 = tpu.memref_slice %arg3[%select_n3A, %dma_wait3A_224, %dma_wait3A_225] : memref<288x1x48xi32, #tpu.memory_space<hbm>> -> memref<9x1x48xi32, #tpu.memory_space<hbm>>
      tpu.wait_dma2 semaphore(%run_scoped3A : memref<!tpu.dma_semaphore, #tpu.memory_space<semaphore_mem>>) src(%dma_wait3A_226 : memref<9x1x48xi32, #tpu.memory_space<hbm>>) dst(%arg5 : memref<9x1x48xi32, #tpu.memory_space<vmem>>)
      tpu.yield
    }) : () -> ()
    %dma_start3A = arith.constant 0 : i32
    %dma_start3A_19 = arith.constant 0 : i32
    %dma_start3A_20 = arith.constant 0 : i32
    %dma_start3A_21 = arith.constant 0 : i32
    %dma_start3A_22 = tpu.memref_slice %arg6[%dma_start3A_20, %dma_start3A_21] : memref<432x128xf32, #tpu.memory_space<vmem>> -> memref<48x128xf32, #tpu.memory_space<vmem>>
    %dma_start3A_23 = arith.constant 0 : i32
    %dma_start3A_24 = tpu.memref_slice %arg5[%dma_start3A, %dma_start3A_19, %dma_start3A_23] : memref<9x1x48xi32, #tpu.memory_space<vmem>> -> memref<1x1x48xi32, #tpu.memory_space<vmem>>
    %dma_start3A_25 = tpu.memref_squeeze %dma_start3A_24 : memref<1x1x48xi32, #tpu.memory_space<vmem>> -> memref<48xi32, #tpu.memory_space<vmem>>
    %dma_start3A_26 = arith.constant 0 : i32
    %dma_start3A_27 = arith.constant 0 : i32
    %dma_start3A_28 = tpu.memref_slice %arg2[%dma_start3A_26, %dma_start3A_27] : memref<2048x128xf32, #tpu.memory_space<hbm>> -> memref<2048x128xf32, #tpu.memory_space<hbm>>
    tpu.enqueue_indirect_dma source(%dma_start3A_28 : memref<2048x128xf32, #tpu.memory_space<hbm>>) target(%dma_start3A_22 : memref<48x128xf32, #tpu.memory_space<vmem>>) offsets(%dma_start3A_25 : memref<48xi32, #tpu.memory_space<vmem>>) semaphore(%arg7 : memref<!tpu.dma_semaphore, #tpu.memory_space<semaphore_mem>>)
    %dma_start3A_29 = arith.constant 1 : i32
    %dma_start3A_30 = arith.constant 0 : i32
    %dma_start3A_31 = arith.constant 48 : i32
    %dma_start3A_32 = arith.constant 0 : i32
    %dma_start3A_33 = tpu.memref_slice %arg6[%dma_start3A_31, %dma_start3A_32] : memref<432x128xf32, #tpu.memory_space<vmem>> -> memref<48x128xf32, #tpu.memory_space<vmem>>
    %dma_start3A_34 = arith.constant 0 : i32
    %dma_start3A_35 = tpu.memref_slice %arg5[%dma_start3A_29, %dma_start3A_30, %dma_start3A_34] : memref<9x1x48xi32, #tpu.memory_space<vmem>> -> memref<1x1x48xi32, #tpu.memory_space<vmem>>
    %dma_start3A_36 = tpu.memref_squeeze %dma_start3A_35 : memref<1x1x48xi32, #tpu.memory_space<vmem>> -> memref<48xi32, #tpu.memory_space<vmem>>
    %dma_start3A_37 = arith.constant 0 : i32
    %dma_start3A_38 = arith.constant 0 : i32
    %dma_start3A_39 = tpu.memref_slice %arg2[%dma_start3A_37, %dma_start3A_38] : memref<2048x128xf32, #tpu.memory_space<hbm>> -> memref<2048x128xf32, #tpu.memory_space<hbm>>
    tpu.enqueue_indirect_dma source(%dma_start3A_39 : memref<2048x128xf32, #tpu.memory_space<hbm>>) target(%dma_start3A_33 : memref<48x128xf32, #tpu.memory_space<vmem>>) offsets(%dma_start3A_36 : memref<48xi32, #tpu.memory_space<vmem>>) semaphore(%arg7 : memref<!tpu.dma_semaphore, #tpu.memory_space<semaphore_mem>>)
    %dma_start3A_40 = arith.constant 2 : i32
    %dma_start3A_41 = arith.constant 0 : i32
    %dma_start3A_42 = arith.constant 96 : i32
    %dma_start3A_43 = arith.constant 0 : i32
    %dma_start3A_44 = tpu.memref_slice %arg6[%dma_start3A_42, %dma_start3A_43] : memref<432x128xf32, #tpu.memory_space<vmem>> -> memref<48x128xf32, #tpu.memory_space<vmem>>
    %dma_start3A_45 = arith.constant 0 : i32
    %dma_start3A_46 = tpu.memref_slice %arg5[%dma_start3A_40, %dma_start3A_41, %dma_start3A_45] : memref<9x1x48xi32, #tpu.memory_space<vmem>> -> memref<1x1x48xi32, #tpu.memory_space<vmem>>
    %dma_start3A_47 = tpu.memref_squeeze %dma_start3A_46 : memref<1x1x48xi32, #tpu.memory_space<vmem>> -> memref<48xi32, #tpu.memory_space<vmem>>
    %dma_start3A_48 = arith.constant 0 : i32
    %dma_start3A_49 = arith.constant 0 : i32
    %dma_start3A_50 = tpu.memref_slice %arg2[%dma_start3A_48, %dma_start3A_49] : memref<2048x128xf32, #tpu.memory_space<hbm>> -> memref<2048x128xf32, #tpu.memory_space<hbm>>
    tpu.enqueue_indirect_dma source(%dma_start3A_50 : memref<2048x128xf32, #tpu.memory_space<hbm>>) target(%dma_start3A_44 : memref<48x128xf32, #tpu.memory_space<vmem>>) offsets(%dma_start3A_47 : memref<48xi32, #tpu.memory_space<vmem>>) semaphore(%arg7 : memref<!tpu.dma_semaphore, #tpu.memory_space<semaphore_mem>>)
    %dma_start3A_51 = arith.constant 3 : i32
    %dma_start3A_52 = arith.constant 0 : i32
    %dma_start3A_53 = arith.constant 144 : i32
    %dma_start3A_54 = arith.constant 0 : i32
    %dma_start3A_55 = tpu.memref_slice %arg6[%dma_start3A_53, %dma_start3A_54] : memref<432x128xf32, #tpu.memory_space<vmem>> -> memref<48x128xf32, #tpu.memory_space<vmem>>
    %dma_start3A_56 = arith.constant 0 : i32
    %dma_start3A_57 = tpu.memref_slice %arg5[%dma_start3A_51, %dma_start3A_52, %dma_start3A_56] : memref<9x1x48xi32, #tpu.memory_space<vmem>> -> memref<1x1x48xi32, #tpu.memory_space<vmem>>
    %dma_start3A_58 = tpu.memref_squeeze %dma_start3A_57 : memref<1x1x48xi32, #tpu.memory_space<vmem>> -> memref<48xi32, #tpu.memory_space<vmem>>
    %dma_start3A_59 = arith.constant 0 : i32
    %dma_start3A_60 = arith.constant 0 : i32
    %dma_start3A_61 = tpu.memref_slice %arg2[%dma_start3A_59, %dma_start3A_60] : memref<2048x128xf32, #tpu.memory_space<hbm>> -> memref<2048x128xf32, #tpu.memory_space<hbm>>
    tpu.enqueue_indirect_dma source(%dma_start3A_61 : memref<2048x128xf32, #tpu.memory_space<hbm>>) target(%dma_start3A_55 : memref<48x128xf32, #tpu.memory_space<vmem>>) offsets(%dma_start3A_58 : memref<48xi32, #tpu.memory_space<vmem>>) semaphore(%arg7 : memref<!tpu.dma_semaphore, #tpu.memory_space<semaphore_mem>>)
    %dma_start3A_62 = arith.constant 4 : i32
    %dma_start3A_63 = arith.constant 0 : i32
    %dma_start3A_64 = arith.constant 192 : i32
    %dma_start3A_65 = arith.constant 0 : i32
    %dma_start3A_66 = tpu.memref_slice %arg6[%dma_start3A_64, %dma_start3A_65] : memref<432x128xf32, #tpu.memory_space<vmem>> -> memref<48x128xf32, #tpu.memory_space<vmem>>
    %dma_start3A_67 = arith.constant 0 : i32
    %dma_start3A_68 = tpu.memref_slice %arg5[%dma_start3A_62, %dma_start3A_63, %dma_start3A_67] : memref<9x1x48xi32, #tpu.memory_space<vmem>> -> memref<1x1x48xi32, #tpu.memory_space<vmem>>
    %dma_start3A_69 = tpu.memref_squeeze %dma_start3A_68 : memref<1x1x48xi32, #tpu.memory_space<vmem>> -> memref<48xi32, #tpu.memory_space<vmem>>
    %dma_start3A_70 = arith.constant 0 : i32
    %dma_start3A_71 = arith.constant 0 : i32
    %dma_start3A_72 = tpu.memref_slice %arg2[%dma_start3A_70, %dma_start3A_71] : memref<2048x128xf32, #tpu.memory_space<hbm>> -> memref<2048x128xf32, #tpu.memory_space<hbm>>
    tpu.enqueue_indirect_dma source(%dma_start3A_72 : memref<2048x128xf32, #tpu.memory_space<hbm>>) target(%dma_start3A_66 : memref<48x128xf32, #tpu.memory_space<vmem>>) offsets(%dma_start3A_69 : memref<48xi32, #tpu.memory_space<vmem>>) semaphore(%arg7 : memref<!tpu.dma_semaphore, #tpu.memory_space<semaphore_mem>>)
    %dma_start3A_73 = arith.constant 5 : i32
    %dma_start3A_74 = arith.constant 0 : i32
    %dma_start3A_75 = arith.constant 240 : i32
    %dma_start3A_76 = arith.constant 0 : i32
    %dma_start3A_77 = tpu.memref_slice %arg6[%dma_start3A_75, %dma_start3A_76] : memref<432x128xf32, #tpu.memory_space<vmem>> -> memref<48x128xf32, #tpu.memory_space<vmem>>
    %dma_start3A_78 = arith.constant 0 : i32
    %dma_start3A_79 = tpu.memref_slice %arg5[%dma_start3A_73, %dma_start3A_74, %dma_start3A_78] : memref<9x1x48xi32, #tpu.memory_space<vmem>> -> memref<1x1x48xi32, #tpu.memory_space<vmem>>
    %dma_start3A_80 = tpu.memref_squeeze %dma_start3A_79 : memref<1x1x48xi32, #tpu.memory_space<vmem>> -> memref<48xi32, #tpu.memory_space<vmem>>
    %dma_start3A_81 = arith.constant 0 : i32
    %dma_start3A_82 = arith.constant 0 : i32
    %dma_start3A_83 = tpu.memref_slice %arg2[%dma_start3A_81, %dma_start3A_82] : memref<2048x128xf32, #tpu.memory_space<hbm>> -> memref<2048x128xf32, #tpu.memory_space<hbm>>
    tpu.enqueue_indirect_dma source(%dma_start3A_83 : memref<2048x128xf32, #tpu.memory_space<hbm>>) target(%dma_start3A_77 : memref<48x128xf32, #tpu.memory_space<vmem>>) offsets(%dma_start3A_80 : memref<48xi32, #tpu.memory_space<vmem>>) semaphore(%arg7 : memref<!tpu.dma_semaphore, #tpu.memory_space<semaphore_mem>>)
    %dma_start3A_84 = arith.constant 6 : i32
    %dma_start3A_85 = arith.constant 0 : i32
    %dma_start3A_86 = arith.constant 288 : i32
    %dma_start3A_87 = arith.constant 0 : i32
    %dma_start3A_88 = tpu.memref_slice %arg6[%dma_start3A_86, %dma_start3A_87] : memref<432x128xf32, #tpu.memory_space<vmem>> -> memref<48x128xf32, #tpu.memory_space<vmem>>
    %dma_start3A_89 = arith.constant 0 : i32
    %dma_start3A_90 = tpu.memref_slice %arg5[%dma_start3A_84, %dma_start3A_85, %dma_start3A_89] : memref<9x1x48xi32, #tpu.memory_space<vmem>> -> memref<1x1x48xi32, #tpu.memory_space<vmem>>
    %dma_start3A_91 = tpu.memref_squeeze %dma_start3A_90 : memref<1x1x48xi32, #tpu.memory_space<vmem>> -> memref<48xi32, #tpu.memory_space<vmem>>
    %dma_start3A_92 = arith.constant 0 : i32
    %dma_start3A_93 = arith.constant 0 : i32
    %dma_start3A_94 = tpu.memref_slice %arg2[%dma_start3A_92, %dma_start3A_93] : memref<2048x128xf32, #tpu.memory_space<hbm>> -> memref<2048x128xf32, #tpu.memory_space<hbm>>
    tpu.enqueue_indirect_dma source(%dma_start3A_94 : memref<2048x128xf32, #tpu.memory_space<hbm>>) target(%dma_start3A_88 : memref<48x128xf32, #tpu.memory_space<vmem>>) offsets(%dma_start3A_91 : memref<48xi32, #tpu.memory_space<vmem>>) semaphore(%arg7 : memref<!tpu.dma_semaphore, #tpu.memory_space<semaphore_mem>>)
    %dma_start3A_95 = arith.constant 7 : i32
    %dma_start3A_96 = arith.constant 0 : i32
    %dma_start3A_97 = arith.constant 336 : i32
    %dma_start3A_98 = arith.constant 0 : i32
    %dma_start3A_99 = tpu.memref_slice %arg6[%dma_start3A_97, %dma_start3A_98] : memref<432x128xf32, #tpu.memory_space<vmem>> -> memref<48x128xf32, #tpu.memory_space<vmem>>
    %dma_start3A_100 = arith.constant 0 : i32
    %dma_start3A_101 = tpu.memref_slice %arg5[%dma_start3A_95, %dma_start3A_96, %dma_start3A_100] : memref<9x1x48xi32, #tpu.memory_space<vmem>> -> memref<1x1x48xi32, #tpu.memory_space<vmem>>
    %dma_start3A_102 = tpu.memref_squeeze %dma_start3A_101 : memref<1x1x48xi32, #tpu.memory_space<vmem>> -> memref<48xi32, #tpu.memory_space<vmem>>
    %dma_start3A_103 = arith.constant 0 : i32
    %dma_start3A_104 = arith.constant 0 : i32
    %dma_start3A_105 = tpu.memref_slice %arg2[%dma_start3A_103, %dma_start3A_104] : memref<2048x128xf32, #tpu.memory_space<hbm>> -> memref<2048x128xf32, #tpu.memory_space<hbm>>
    tpu.enqueue_indirect_dma source(%dma_start3A_105 : memref<2048x128xf32, #tpu.memory_space<hbm>>) target(%dma_start3A_99 : memref<48x128xf32, #tpu.memory_space<vmem>>) offsets(%dma_start3A_102 : memref<48xi32, #tpu.memory_space<vmem>>) semaphore(%arg7 : memref<!tpu.dma_semaphore, #tpu.memory_space<semaphore_mem>>)
    %dma_start3A_106 = arith.constant 8 : i32
    %dma_start3A_107 = arith.constant 0 : i32
    %dma_start3A_108 = arith.constant 384 : i32
    %dma_start3A_109 = arith.constant 0 : i32
    %dma_start3A_110 = tpu.memref_slice %arg6[%dma_start3A_108, %dma_start3A_109] : memref<432x128xf32, #tpu.memory_space<vmem>> -> memref<48x128xf32, #tpu.memory_space<vmem>>
    %dma_start3A_111 = arith.constant 0 : i32
    %dma_start3A_112 = tpu.memref_slice %arg5[%dma_start3A_106, %dma_start3A_107, %dma_start3A_111] : memref<9x1x48xi32, #tpu.memory_space<vmem>> -> memref<1x1x48xi32, #tpu.memory_space<vmem>>
    %dma_start3A_113 = tpu.memref_squeeze %dma_start3A_112 : memref<1x1x48xi32, #tpu.memory_space<vmem>> -> memref<48xi32, #tpu.memory_space<vmem>>
    %dma_start3A_114 = arith.constant 0 : i32
    %dma_start3A_115 = arith.constant 0 : i32
    %dma_start3A_116 = tpu.memref_slice %arg2[%dma_start3A_114, %dma_start3A_115] : memref<2048x128xf32, #tpu.memory_space<hbm>> -> memref<2048x128xf32, #tpu.memory_space<hbm>>
    tpu.enqueue_indirect_dma source(%dma_start3A_116 : memref<2048x128xf32, #tpu.memory_space<hbm>>) target(%dma_start3A_110 : memref<48x128xf32, #tpu.memory_space<vmem>>) offsets(%dma_start3A_113 : memref<48xi32, #tpu.memory_space<vmem>>) semaphore(%arg7 : memref<!tpu.dma_semaphore, #tpu.memory_space<semaphore_mem>>)
    %dma_wait3A = arith.constant 0 : i32
    %dma_wait3A_117 = arith.constant 0 : i32
    %dma_wait3A_118 = arith.constant 0 : i32
    %dma_wait3A_119 = arith.constant 0 : i32
    %dma_wait3A_120 = tpu.memref_slice %arg6[%dma_wait3A_118, %dma_wait3A_119] : memref<432x128xf32, #tpu.memory_space<vmem>> -> memref<48x128xf32, #tpu.memory_space<vmem>>
    %dma_wait3A_121 = arith.constant 0 : i32
    %dma_wait3A_122 = tpu.memref_slice %arg5[%dma_wait3A, %dma_wait3A_117, %dma_wait3A_121] : memref<9x1x48xi32, #tpu.memory_space<vmem>> -> memref<1x1x48xi32, #tpu.memory_space<vmem>>
    %dma_wait3A_123 = tpu.memref_squeeze %dma_wait3A_122 : memref<1x1x48xi32, #tpu.memory_space<vmem>> -> memref<48xi32, #tpu.memory_space<vmem>>
    %dma_wait3A_124 = arith.constant 0 : i32
    %dma_wait3A_125 = arith.constant 0 : i32
    %dma_wait3A_126 = tpu.memref_slice %arg2[%dma_wait3A_124, %dma_wait3A_125] : memref<2048x128xf32, #tpu.memory_space<hbm>> -> memref<2048x128xf32, #tpu.memory_space<hbm>>
    tpu.wait_indirect_dma semaphore(%arg7 : memref<!tpu.dma_semaphore, #tpu.memory_space<semaphore_mem>>) src(%dma_wait3A_126 : memref<2048x128xf32, #tpu.memory_space<hbm>>) dst(%dma_wait3A_120 : memref<48x128xf32, #tpu.memory_space<vmem>>)
    %dma_wait3A_127 = arith.constant 1 : i32
    %dma_wait3A_128 = arith.constant 0 : i32
    %dma_wait3A_129 = arith.constant 48 : i32
    %dma_wait3A_130 = arith.constant 0 : i32
    %dma_wait3A_131 = tpu.memref_slice %arg6[%dma_wait3A_129, %dma_wait3A_130] : memref<432x128xf32, #tpu.memory_space<vmem>> -> memref<48x128xf32, #tpu.memory_space<vmem>>
    %dma_wait3A_132 = arith.constant 0 : i32
    %dma_wait3A_133 = tpu.memref_slice %arg5[%dma_wait3A_127, %dma_wait3A_128, %dma_wait3A_132] : memref<9x1x48xi32, #tpu.memory_space<vmem>> -> memref<1x1x48xi32, #tpu.memory_space<vmem>>
    %dma_wait3A_134 = tpu.memref_squeeze %dma_wait3A_133 : memref<1x1x48xi32, #tpu.memory_space<vmem>> -> memref<48xi32, #tpu.memory_space<vmem>>
    %dma_wait3A_135 = arith.constant 0 : i32
    %dma_wait3A_136 = arith.constant 0 : i32
    %dma_wait3A_137 = tpu.memref_slice %arg2[%dma_wait3A_135, %dma_wait3A_136] : memref<2048x128xf32, #tpu.memory_space<hbm>> -> memref<2048x128xf32, #tpu.memory_space<hbm>>
    tpu.wait_indirect_dma semaphore(%arg7 : memref<!tpu.dma_semaphore, #tpu.memory_space<semaphore_mem>>) src(%dma_wait3A_137 : memref<2048x128xf32, #tpu.memory_space<hbm>>) dst(%dma_wait3A_131 : memref<48x128xf32, #tpu.memory_space<vmem>>)
    %dma_wait3A_138 = arith.constant 2 : i32
    %dma_wait3A_139 = arith.constant 0 : i32
    %dma_wait3A_140 = arith.constant 96 : i32
    %dma_wait3A_141 = arith.constant 0 : i32
    %dma_wait3A_142 = tpu.memref_slice %arg6[%dma_wait3A_140, %dma_wait3A_141] : memref<432x128xf32, #tpu.memory_space<vmem>> -> memref<48x128xf32, #tpu.memory_space<vmem>>
    %dma_wait3A_143 = arith.constant 0 : i32
    %dma_wait3A_144 = tpu.memref_slice %arg5[%dma_wait3A_138, %dma_wait3A_139, %dma_wait3A_143] : memref<9x1x48xi32, #tpu.memory_space<vmem>> -> memref<1x1x48xi32, #tpu.memory_space<vmem>>
    %dma_wait3A_145 = tpu.memref_squeeze %dma_wait3A_144 : memref<1x1x48xi32, #tpu.memory_space<vmem>> -> memref<48xi32, #tpu.memory_space<vmem>>
    %dma_wait3A_146 = arith.constant 0 : i32
    %dma_wait3A_147 = arith.constant 0 : i32
    %dma_wait3A_148 = tpu.memref_slice %arg2[%dma_wait3A_146, %dma_wait3A_147] : memref<2048x128xf32, #tpu.memory_space<hbm>> -> memref<2048x128xf32, #tpu.memory_space<hbm>>
    tpu.wait_indirect_dma semaphore(%arg7 : memref<!tpu.dma_semaphore, #tpu.memory_space<semaphore_mem>>) src(%dma_wait3A_148 : memref<2048x128xf32, #tpu.memory_space<hbm>>) dst(%dma_wait3A_142 : memref<48x128xf32, #tpu.memory_space<vmem>>)
    %dma_wait3A_149 = arith.constant 3 : i32
    %dma_wait3A_150 = arith.constant 0 : i32
    %dma_wait3A_151 = arith.constant 144 : i32
    %dma_wait3A_152 = arith.constant 0 : i32
    %dma_wait3A_153 = tpu.memref_slice %arg6[%dma_wait3A_151, %dma_wait3A_152] : memref<432x128xf32, #tpu.memory_space<vmem>> -> memref<48x128xf32, #tpu.memory_space<vmem>>
    %dma_wait3A_154 = arith.constant 0 : i32
    %dma_wait3A_155 = tpu.memref_slice %arg5[%dma_wait3A_149, %dma_wait3A_150, %dma_wait3A_154] : memref<9x1x48xi32, #tpu.memory_space<vmem>> -> memref<1x1x48xi32, #tpu.memory_space<vmem>>
    %dma_wait3A_156 = tpu.memref_squeeze %dma_wait3A_155 : memref<1x1x48xi32, #tpu.memory_space<vmem>> -> memref<48xi32, #tpu.memory_space<vmem>>
    %dma_wait3A_157 = arith.constant 0 : i32
    %dma_wait3A_158 = arith.constant 0 : i32
    %dma_wait3A_159 = tpu.memref_slice %arg2[%dma_wait3A_157, %dma_wait3A_158] : memref<2048x128xf32, #tpu.memory_space<hbm>> -> memref<2048x128xf32, #tpu.memory_space<hbm>>
    tpu.wait_indirect_dma semaphore(%arg7 : memref<!tpu.dma_semaphore, #tpu.memory_space<semaphore_mem>>) src(%dma_wait3A_159 : memref<2048x128xf32, #tpu.memory_space<hbm>>) dst(%dma_wait3A_153 : memref<48x128xf32, #tpu.memory_space<vmem>>)
    %dma_wait3A_160 = arith.constant 4 : i32
    %dma_wait3A_161 = arith.constant 0 : i32
    %dma_wait3A_162 = arith.constant 192 : i32
    %dma_wait3A_163 = arith.constant 0 : i32
    %dma_wait3A_164 = tpu.memref_slice %arg6[%dma_wait3A_162, %dma_wait3A_163] : memref<432x128xf32, #tpu.memory_space<vmem>> -> memref<48x128xf32, #tpu.memory_space<vmem>>
    %dma_wait3A_165 = arith.constant 0 : i32
    %dma_wait3A_166 = tpu.memref_slice %arg5[%dma_wait3A_160, %dma_wait3A_161, %dma_wait3A_165] : memref<9x1x48xi32, #tpu.memory_space<vmem>> -> memref<1x1x48xi32, #tpu.memory_space<vmem>>
    %dma_wait3A_167 = tpu.memref_squeeze %dma_wait3A_166 : memref<1x1x48xi32, #tpu.memory_space<vmem>> -> memref<48xi32, #tpu.memory_space<vmem>>
    %dma_wait3A_168 = arith.constant 0 : i32
    %dma_wait3A_169 = arith.constant 0 : i32
    %dma_wait3A_170 = tpu.memref_slice %arg2[%dma_wait3A_168, %dma_wait3A_169] : memref<2048x128xf32, #tpu.memory_space<hbm>> -> memref<2048x128xf32, #tpu.memory_space<hbm>>
    tpu.wait_indirect_dma semaphore(%arg7 : memref<!tpu.dma_semaphore, #tpu.memory_space<semaphore_mem>>) src(%dma_wait3A_170 : memref<2048x128xf32, #tpu.memory_space<hbm>>) dst(%dma_wait3A_164 : memref<48x128xf32, #tpu.memory_space<vmem>>)
    %dma_wait3A_171 = arith.constant 5 : i32
    %dma_wait3A_172 = arith.constant 0 : i32
    %dma_wait3A_173 = arith.constant 240 : i32
    %dma_wait3A_174 = arith.constant 0 : i32
    %dma_wait3A_175 = tpu.memref_slice %arg6[%dma_wait3A_173, %dma_wait3A_174] : memref<432x128xf32, #tpu.memory_space<vmem>> -> memref<48x128xf32, #tpu.memory_space<vmem>>
    %dma_wait3A_176 = arith.constant 0 : i32
    %dma_wait3A_177 = tpu.memref_slice %arg5[%dma_wait3A_171, %dma_wait3A_172, %dma_wait3A_176] : memref<9x1x48xi32, #tpu.memory_space<vmem>> -> memref<1x1x48xi32, #tpu.memory_space<vmem>>
    %dma_wait3A_178 = tpu.memref_squeeze %dma_wait3A_177 : memref<1x1x48xi32, #tpu.memory_space<vmem>> -> memref<48xi32, #tpu.memory_space<vmem>>
    %dma_wait3A_179 = arith.constant 0 : i32
    %dma_wait3A_180 = arith.constant 0 : i32
    %dma_wait3A_181 = tpu.memref_slice %arg2[%dma_wait3A_179, %dma_wait3A_180] : memref<2048x128xf32, #tpu.memory_space<hbm>> -> memref<2048x128xf32, #tpu.memory_space<hbm>>
    tpu.wait_indirect_dma semaphore(%arg7 : memref<!tpu.dma_semaphore, #tpu.memory_space<semaphore_mem>>) src(%dma_wait3A_181 : memref<2048x128xf32, #tpu.memory_space<hbm>>) dst(%dma_wait3A_175 : memref<48x128xf32, #tpu.memory_space<vmem>>)
    %dma_wait3A_182 = arith.constant 6 : i32
    %dma_wait3A_183 = arith.constant 0 : i32
    %dma_wait3A_184 = arith.constant 288 : i32
    %dma_wait3A_185 = arith.constant 0 : i32
    %dma_wait3A_186 = tpu.memref_slice %arg6[%dma_wait3A_184, %dma_wait3A_185] : memref<432x128xf32, #tpu.memory_space<vmem>> -> memref<48x128xf32, #tpu.memory_space<vmem>>
    %dma_wait3A_187 = arith.constant 0 : i32
    %dma_wait3A_188 = tpu.memref_slice %arg5[%dma_wait3A_182, %dma_wait3A_183, %dma_wait3A_187] : memref<9x1x48xi32, #tpu.memory_space<vmem>> -> memref<1x1x48xi32, #tpu.memory_space<vmem>>
    %dma_wait3A_189 = tpu.memref_squeeze %dma_wait3A_188 : memref<1x1x48xi32, #tpu.memory_space<vmem>> -> memref<48xi32, #tpu.memory_space<vmem>>
    %dma_wait3A_190 = arith.constant 0 : i32
    %dma_wait3A_191 = arith.constant 0 : i32
    %dma_wait3A_192 = tpu.memref_slice %arg2[%dma_wait3A_190, %dma_wait3A_191] : memref<2048x128xf32, #tpu.memory_space<hbm>> -> memref<2048x128xf32, #tpu.memory_space<hbm>>
    tpu.wait_indirect_dma semaphore(%arg7 : memref<!tpu.dma_semaphore, #tpu.memory_space<semaphore_mem>>) src(%dma_wait3A_192 : memref<2048x128xf32, #tpu.memory_space<hbm>>) dst(%dma_wait3A_186 : memref<48x128xf32, #tpu.memory_space<vmem>>)
    %dma_wait3A_193 = arith.constant 7 : i32
    %dma_wait3A_194 = arith.constant 0 : i32
    %dma_wait3A_195 = arith.constant 336 : i32
    %dma_wait3A_196 = arith.constant 0 : i32
    %dma_wait3A_197 = tpu.memref_slice %arg6[%dma_wait3A_195, %dma_wait3A_196] : memref<432x128xf32, #tpu.memory_space<vmem>> -> memref<48x128xf32, #tpu.memory_space<vmem>>
    %dma_wait3A_198 = arith.constant 0 : i32
    %dma_wait3A_199 = tpu.memref_slice %arg5[%dma_wait3A_193, %dma_wait3A_194, %dma_wait3A_198] : memref<9x1x48xi32, #tpu.memory_space<vmem>> -> memref<1x1x48xi32, #tpu.memory_space<vmem>>
    %dma_wait3A_200 = tpu.memref_squeeze %dma_wait3A_199 : memref<1x1x48xi32, #tpu.memory_space<vmem>> -> memref<48xi32, #tpu.memory_space<vmem>>
    %dma_wait3A_201 = arith.constant 0 : i32
    %dma_wait3A_202 = arith.constant 0 : i32
    %dma_wait3A_203 = tpu.memref_slice %arg2[%dma_wait3A_201, %dma_wait3A_202] : memref<2048x128xf32, #tpu.memory_space<hbm>> -> memref<2048x128xf32, #tpu.memory_space<hbm>>
    tpu.wait_indirect_dma semaphore(%arg7 : memref<!tpu.dma_semaphore, #tpu.memory_space<semaphore_mem>>) src(%dma_wait3A_203 : memref<2048x128xf32, #tpu.memory_space<hbm>>) dst(%dma_wait3A_197 : memref<48x128xf32, #tpu.memory_space<vmem>>)
    %dma_wait3A_204 = arith.constant 8 : i32
    %dma_wait3A_205 = arith.constant 0 : i32
    %dma_wait3A_206 = arith.constant 384 : i32
    %dma_wait3A_207 = arith.constant 0 : i32
    %dma_wait3A_208 = tpu.memref_slice %arg6[%dma_wait3A_206, %dma_wait3A_207] : memref<432x128xf32, #tpu.memory_space<vmem>> -> memref<48x128xf32, #tpu.memory_space<vmem>>
    %dma_wait3A_209 = arith.constant 0 : i32
    %dma_wait3A_210 = tpu.memref_slice %arg5[%dma_wait3A_204, %dma_wait3A_205, %dma_wait3A_209] : memref<9x1x48xi32, #tpu.memory_space<vmem>> -> memref<1x1x48xi32, #tpu.memory_space<vmem>>
    %dma_wait3A_211 = tpu.memref_squeeze %dma_wait3A_210 : memref<1x1x48xi32, #tpu.memory_space<vmem>> -> memref<48xi32, #tpu.memory_space<vmem>>
    %dma_wait3A_212 = arith.constant 0 : i32
    %dma_wait3A_213 = arith.constant 0 : i32
    %dma_wait3A_214 = tpu.memref_slice %arg2[%dma_wait3A_212, %dma_wait3A_213] : memref<2048x128xf32, #tpu.memory_space<hbm>> -> memref<2048x128xf32, #tpu.memory_space<hbm>>
    tpu.wait_indirect_dma semaphore(%arg7 : memref<!tpu.dma_semaphore, #tpu.memory_space<semaphore_mem>>) src(%dma_wait3A_214 : memref<2048x128xf32, #tpu.memory_space<hbm>>) dst(%dma_wait3A_208 : memref<48x128xf32, #tpu.memory_space<vmem>>)
    "tpu.region"() ({
      %run_scoped3A = tpu.sem_alloc : memref<!tpu.dma_semaphore, #tpu.memory_space<semaphore_mem>>
      %dma_start3A_215 = arith.constant 0 : i32
      %dma_start3A_216 = tpu.memref_slice %arg4[%mul3A_2, %dma_start3A_215] : memref<13824x128xf32, #tpu.memory_space<hbm>> -> memref<432x128xf32, #tpu.memory_space<hbm>>
      %dma_start3A_217 = arith.constant 0 : i32
      %dma_start3A_218 = tpu.memref_slice %arg4[%mul3A_2, %dma_start3A_217] : memref<13824x128xf32, #tpu.memory_space<hbm>> -> memref<432x128xf32, #tpu.memory_space<hbm>>
      tpu.enqueue_dma source(%arg6 : memref<432x128xf32, #tpu.memory_space<vmem>>) target(%dma_start3A_218 : memref<432x128xf32, #tpu.memory_space<hbm>>) target_semaphore(%run_scoped3A : memref<!tpu.dma_semaphore, #tpu.memory_space<semaphore_mem>>)
      %dma_wait3A_219 = arith.constant 0 : i32
      %dma_wait3A_220 = tpu.memref_slice %arg4[%mul3A_2, %dma_wait3A_219] : memref<13824x128xf32, #tpu.memory_space<hbm>> -> memref<432x128xf32, #tpu.memory_space<hbm>>
      %dma_wait3A_221 = arith.constant 0 : i32
      %dma_wait3A_222 = tpu.memref_slice %arg4[%mul3A_2, %dma_wait3A_221] : memref<13824x128xf32, #tpu.memory_space<hbm>> -> memref<432x128xf32, #tpu.memory_space<hbm>>
      tpu.wait_dma2 semaphore(%run_scoped3A : memref<!tpu.dma_semaphore, #tpu.memory_space<semaphore_mem>>) src(%arg6 : memref<432x128xf32, #tpu.memory_space<vmem>>) dst(%dma_wait3A_222 : memref<432x128xf32, #tpu.memory_space<hbm>>)
      tpu.yield
    }) : () -> ()
    return
  }
}

module attributes {stable_mosaic.version = 14 : i64} {
  func.func @_cpg_body(%arg0: i32, %arg1: i32, %arg2: memref<1x3456x128xf32, #tpu.memory_space<vmem>>, %arg3: memref<1x16x3xf32, #tpu.memory_space<vmem>>, %arg4: memref<1x16x32xf32, #tpu.memory_space<vmem>>, %arg5: memref<216x3xf32, #tpu.memory_space<vmem>>, %arg6: memref<35x64xf32, #tpu.memory_space<vmem>>, %arg7: memref<1x64xf32, #tpu.memory_space<vmem>>, %arg8: memref<64x32xf32, #tpu.memory_space<vmem>>, %arg9: memref<1x32xf32, #tpu.memory_space<vmem>>, %arg10: memref<1x16x3xf32, #tpu.memory_space<vmem>>) attributes {dimension_semantics = [#tpu.dimension_semantics<arbitrary>, #tpu.dimension_semantics<arbitrary>], iteration_bounds = array<i64: 1, 4>, scalar_prefetch = 0 : i64, scratch_operands = 0 : i64, tpu.core_type = #tpu.core_type<tc>, window_params = [{transform_indices = @transform_0, window_bounds = array<i64: 1, 3456, 128>}, {transform_indices = @transform_1, window_bounds = array<i64: 1, 16, 3>}, {transform_indices = @transform_2, window_bounds = array<i64: 1, 16, 32>}, {pipeline_mode = #tpu.pipeline_mode<synchronous>, transform_indices = @transform_3, window_bounds = array<i64: 216, 3>}, {pipeline_mode = #tpu.pipeline_mode<synchronous>, transform_indices = @transform_4, window_bounds = array<i64: 35, 64>}, {pipeline_mode = #tpu.pipeline_mode<synchronous>, transform_indices = @transform_5, window_bounds = array<i64: 1, 64>}, {pipeline_mode = #tpu.pipeline_mode<synchronous>, transform_indices = @transform_6, window_bounds = array<i64: 64, 32>}, {pipeline_mode = #tpu.pipeline_mode<synchronous>, transform_indices = @transform_7, window_bounds = array<i64: 1, 32>}, {transform_indices = @transform_8, window_bounds = array<i64: 1, 16, 3>}]} {
    %get3A = arith.constant 0 : index
    %get3A_0 = arith.constant 0 : index
    %get3A_1 = arith.constant 0 : index
    %get3A_2 = vector.load %arg2[%get3A, %get3A_0, %get3A_1] : memref<1x3456x128xf32, #tpu.memory_space<vmem>>, vector<1x3456x128xf32>
    %get3A_3 = vector.shape_cast %get3A_2 : vector<1x3456x128xf32> to vector<3456x128xf32>
    %get3A_4 = arith.constant 0 : index
    %get3A_5 = arith.constant 0 : index
    %get3A_6 = arith.constant 0 : index
    %get3A_7 = vector.load %arg3[%get3A_4, %get3A_5, %get3A_6] : memref<1x16x3xf32, #tpu.memory_space<vmem>>, vector<1x16x3xf32>
    %get3A_8 = vector.shape_cast %get3A_7 : vector<1x16x3xf32> to vector<16x3xf32>
    %broadcast_in_dim3A = vector.shape_cast %get3A_8 : vector<16x3xf32> to vector<16x1x3xf32>
    %get3A_9 = arith.constant 0 : index
    %get3A_10 = arith.constant 0 : index
    %get3A_11 = vector.load %arg5[%get3A_9, %get3A_10] : memref<216x3xf32, #tpu.memory_space<vmem>>, vector<216x3xf32>
    %broadcast_in_dim3A_12 = vector.shape_cast %get3A_11 : vector<216x3xf32> to vector<1x216x3xf32>
    %add3A = vector.broadcast %broadcast_in_dim3A : vector<16x1x3xf32> to vector<16x216x3xf32>
    %add3A_13 = vector.broadcast %broadcast_in_dim3A_12 : vector<1x216x3xf32> to vector<16x216x3xf32>
    %add3A_14 = arith.addf %add3A, %add3A_13 : vector<16x216x3xf32>
    %reshape3A = vector.shape_cast %add3A_14 : vector<16x216x3xf32> to vector<3456x3xf32>
    %slice3A = vector.extract_strided_slice %get3A_3 {offsets = [0, 0], sizes = [3456, 3], strides = [1, 1]} : vector<3456x128xf32> to vector<3456x3xf32>
    %sub3A = arith.subf %reshape3A, %slice3A : vector<3456x3xf32>
    %slice3A_15 = vector.extract_strided_slice %get3A_3 {offsets = [0, 3], sizes = [3456, 32], strides = [1, 1]} : vector<3456x128xf32> to vector<3456x32xf32>
    %concatenate3A = tpu.concatenate %sub3A, %slice3A_15 in 1 : vector<3456x3xf32>, vector<3456x32xf32> -> vector<3456x35xf32>
    %get3A_16 = arith.constant 0 : index
    %get3A_17 = arith.constant 0 : index
    %get3A_18 = vector.load %arg6[%get3A_16, %get3A_17] : memref<35x64xf32, #tpu.memory_space<vmem>>, vector<35x64xf32>
    %dot_general3A = arith.constant dense<0.000000e+00> : vector<3456x64xf32>
    %dot_general3A_19 = tpu.matmul %concatenate3A, %get3A_18, %dot_general3A {dimension_numbers = #tpu.dot_dimension_numbers<[1], [0], [0], [1], [0, 0, 1, 1], [], []>, transpose_lhs_hint = false} : vector<3456x35xf32>, vector<35x64xf32>, vector<3456x64xf32> -> vector<3456x64xf32>
    %get3A_20 = arith.constant 0 : index
    %get3A_21 = arith.constant 0 : index
    %get3A_22 = vector.load %arg7[%get3A_20, %get3A_21] : memref<1x64xf32, #tpu.memory_space<vmem>>, vector<1x64xf32>
    %add3A_23 = vector.broadcast %get3A_22 : vector<1x64xf32> to vector<3456x64xf32>
    %add3A_24 = arith.addf %dot_general3A_19, %add3A_23 : vector<3456x64xf32>
    %max3A = arith.constant 0.000000e+00 : f32
    %max3A_25 = vector.broadcast %max3A : f32 to vector<3456x64xf32>
    %max3A_26 = arith.maximumf %add3A_24, %max3A_25 : vector<3456x64xf32>
    %get3A_27 = arith.constant 0 : index
    %get3A_28 = arith.constant 0 : index
    %get3A_29 = vector.load %arg8[%get3A_27, %get3A_28] : memref<64x32xf32, #tpu.memory_space<vmem>>, vector<64x32xf32>
    %dot_general3A_30 = arith.constant dense<0.000000e+00> : vector<3456x32xf32>
    %dot_general3A_31 = tpu.matmul %max3A_26, %get3A_29, %dot_general3A_30 {dimension_numbers = #tpu.dot_dimension_numbers<[1], [0], [0], [1], [0, 0, 1, 1], [], []>, transpose_lhs_hint = false} : vector<3456x64xf32>, vector<64x32xf32>, vector<3456x32xf32> -> vector<3456x32xf32>
    %get3A_32 = arith.constant 0 : index
    %get3A_33 = arith.constant 0 : index
    %get3A_34 = vector.load %arg9[%get3A_32, %get3A_33] : memref<1x32xf32, #tpu.memory_space<vmem>>, vector<1x32xf32>
    %add3A_35 = vector.broadcast %get3A_34 : vector<1x32xf32> to vector<3456x32xf32>
    %add3A_36 = arith.addf %dot_general3A_31, %add3A_35 : vector<3456x32xf32>
    %max3A_37 = arith.constant 0.000000e+00 : f32
    %max3A_38 = vector.broadcast %max3A_37 : f32 to vector<3456x32xf32>
    %max3A_39 = arith.maximumf %add3A_36, %max3A_38 : vector<3456x32xf32>
    %get3A_40 = arith.constant 0 : index
    %get3A_41 = arith.constant 0 : index
    %get3A_42 = arith.constant 0 : index
    %get3A_43 = vector.load %arg4[%get3A_40, %get3A_41, %get3A_42] : memref<1x16x32xf32, #tpu.memory_space<vmem>>, vector<1x16x32xf32>
    %get3A_44 = vector.shape_cast %get3A_43 : vector<1x16x32xf32> to vector<16x32xf32>
    %reshape3A_45 = vector.shape_cast %max3A_39 : vector<3456x32xf32> to vector<16x216x32xf32>
    %broadcast_in_dim3A_46 = vector.shape_cast %get3A_44 : vector<16x32xf32> to vector<16x1x32xf32>
    %mul3A = vector.broadcast %broadcast_in_dim3A_46 : vector<16x1x32xf32> to vector<16x216x32xf32>
    %mul3A_47 = arith.mulf %reshape3A_45, %mul3A : vector<16x216x32xf32>
    %reduce_sum3A = arith.constant dense<0.000000e+00> : vector<16x216xf32>
    %reduce_sum3A_48 = vector.multi_reduction <add>, %mul3A_47, %reduce_sum3A [2] : vector<16x216x32xf32> to vector<16x216xf32>
    %reduce_max3A = arith.constant dense<0xFF800000> : vector<16xf32>
    %reduce_max3A_49 = vector.multi_reduction <maximumf>, %reduce_sum3A_48, %reduce_max3A [1] : vector<16x216xf32> to vector<16xf32>
    %broadcast_in_dim3A_50 = vector.shape_cast %reduce_max3A_49 : vector<16xf32> to vector<16x1xf32>
    %sub3A_51 = vector.broadcast %broadcast_in_dim3A_50 : vector<16x1xf32> to vector<16x216xf32>
    %sub3A_52 = arith.subf %reduce_sum3A_48, %sub3A_51 : vector<16x216xf32>
    %exp3A = math.exp %sub3A_52 : vector<16x216xf32>
    %reduce_sum3A_53 = arith.constant dense<0.000000e+00> : vector<16xf32>
    %reduce_sum3A_54 = vector.multi_reduction <add>, %exp3A, %reduce_sum3A_53 [1] : vector<16x216xf32> to vector<16xf32>
    %broadcast_in_dim3A_55 = vector.shape_cast %reduce_sum3A_54 : vector<16xf32> to vector<16x1xf32>
    %div3A = vector.broadcast %broadcast_in_dim3A_55 : vector<16x1xf32> to vector<16x216xf32>
    %div3A_56 = arith.divf %exp3A, %div3A : vector<16x216xf32>
    %broadcast_in_dim3A_57 = vector.shape_cast %div3A_56 : vector<16x216xf32> to vector<16x216x1xf32>
    %mul3A_58 = vector.broadcast %broadcast_in_dim3A_57 : vector<16x216x1xf32> to vector<16x216x3xf32>
    %mul3A_59 = arith.mulf %mul3A_58, %add3A_14 : vector<16x216x3xf32>
    %reduce_sum3A_60 = arith.constant dense<0.000000e+00> : vector<16x3xf32>
    %reduce_sum3A_61 = vector.multi_reduction <add>, %mul3A_59, %reduce_sum3A_60 [1] : vector<16x216x3xf32> to vector<16x3xf32>
    %swap3A = arith.constant 0 : index
    %swap3A_62 = arith.constant 0 : index
    %swap3A_63 = arith.constant 0 : index
    %swap3A_64 = vector.load %arg10[%swap3A, %swap3A_62, %swap3A_63] : memref<1x16x3xf32, #tpu.memory_space<vmem>>, vector<1x16x3xf32>
    %swap3A_65 = vector.shape_cast %swap3A_64 : vector<1x16x3xf32> to vector<16x3xf32>
    %swap3A_66 = vector.shape_cast %reduce_sum3A_61 : vector<16x3xf32> to vector<1x16x3xf32>
    tpu.vector_store %arg10[%swap3A, %swap3A_62, %swap3A_63], %swap3A_66 {strides = array<i32>} : memref<1x16x3xf32, #tpu.memory_space<vmem>>, vector<1x16x3xf32>,
    return
  }
  func.func @transform_0(%arg0: i32, %arg1: i32) -> (i32, i32, i32) {
    %c0_i32 = arith.constant 0 : i32
    %c0_i32_0 = arith.constant 0 : i32
    return %arg0, %arg1, %c0_i32 : i32, i32, i32
  }
  func.func @transform_1(%arg0: i32, %arg1: i32) -> (i32, i32, i32) {
    %c0_i32 = arith.constant 0 : i32
    %c0_i32_0 = arith.constant 0 : i32
    return %arg0, %arg1, %c0_i32 : i32, i32, i32
  }
  func.func @transform_2(%arg0: i32, %arg1: i32) -> (i32, i32, i32) {
    %c0_i32 = arith.constant 0 : i32
    %c0_i32_0 = arith.constant 0 : i32
    return %arg0, %arg1, %c0_i32 : i32, i32, i32
  }
  func.func @transform_3(%arg0: i32, %arg1: i32) -> (i32, i32) {
    %c0_i32 = arith.constant 0 : i32
    %c0_i32_0 = arith.constant 0 : i32
    %c0_i32_1 = arith.constant 0 : i32
    return %c0_i32, %c0_i32_0 : i32, i32
  }
  func.func @transform_4(%arg0: i32, %arg1: i32) -> (i32, i32) {
    %c0_i32 = arith.constant 0 : i32
    %c0_i32_0 = arith.constant 0 : i32
    %c0_i32_1 = arith.constant 0 : i32
    return %c0_i32, %c0_i32_0 : i32, i32
  }
  func.func @transform_5(%arg0: i32, %arg1: i32) -> (i32, i32) {
    %c0_i32 = arith.constant 0 : i32
    %c0_i32_0 = arith.constant 0 : i32
    %c0_i32_1 = arith.constant 0 : i32
    return %c0_i32, %c0_i32_0 : i32, i32
  }
  func.func @transform_6(%arg0: i32, %arg1: i32) -> (i32, i32) {
    %c0_i32 = arith.constant 0 : i32
    %c0_i32_0 = arith.constant 0 : i32
    %c0_i32_1 = arith.constant 0 : i32
    return %c0_i32, %c0_i32_0 : i32, i32
  }
  func.func @transform_7(%arg0: i32, %arg1: i32) -> (i32, i32) {
    %c0_i32 = arith.constant 0 : i32
    %c0_i32_0 = arith.constant 0 : i32
    %c0_i32_1 = arith.constant 0 : i32
    return %c0_i32, %c0_i32_0 : i32, i32
  }
  func.func @transform_8(%arg0: i32, %arg1: i32) -> (i32, i32, i32) {
    %c0_i32 = arith.constant 0 : i32
    %c0_i32_0 = arith.constant 0 : i32
    return %arg0, %arg1, %c0_i32 : i32, i32, i32
  }
}

module attributes {stable_mosaic.version = 14 : i64} {
  func.func @_prep_body(%arg0: i32, %arg1: memref<1x3x2048xf32, #tpu.memory_space<vmem>>, %arg2: memref<1x3x2048xf32, #tpu.memory_space<vmem>>, %arg3: memref<3x3xf32, #tpu.memory_space<vmem>>, %arg4: memref<3x32xf32, #tpu.memory_space<vmem>>, %arg5: memref<1x32xf32, #tpu.memory_space<vmem>>, %arg6: memref<32x32xf32, #tpu.memory_space<vmem>>, %arg7: memref<1x32xf32, #tpu.memory_space<vmem>>, %arg8: memref<32x1xf32, #tpu.memory_space<vmem>>, %arg9: memref<35x64xf32, #tpu.memory_space<vmem>>, %arg10: memref<1x64xf32, #tpu.memory_space<vmem>>, %arg11: memref<64x32xf32, #tpu.memory_space<vmem>>, %arg12: memref<1x32xf32, #tpu.memory_space<vmem>>, %arg13: memref<216x3xf32, #tpu.memory_space<vmem>>, %arg14: memref<1x64x3xf32, #tpu.memory_space<vmem>>, %arg15: memref<1x64x3xf32, #tpu.memory_space<vmem>>, %arg16: memref<1x13824x1xi32, #tpu.memory_space<vmem>>, %arg17: memref<1x64x32xf32, #tpu.memory_space<vmem>>, %arg18: memref<1x2048x128xf32, #tpu.memory_space<vmem>>, %arg19: memref<13824x3xf32, #tpu.memory_space<vmem>>) attributes {dimension_semantics = [#tpu.dimension_semantics<arbitrary>], iteration_bounds = array<i64: 1>, scalar_prefetch = 0 : i64, scratch_operands = 1 : i64, tpu.core_type = #tpu.core_type<tc>, window_params = [{transform_indices = @transform_0, window_bounds = array<i64: 1, 3, 2048>}, {transform_indices = @transform_1, window_bounds = array<i64: 1, 3, 2048>}, {pipeline_mode = #tpu.pipeline_mode<synchronous>, transform_indices = @transform_2, window_bounds = array<i64: 3, 3>}, {pipeline_mode = #tpu.pipeline_mode<synchronous>, transform_indices = @transform_3, window_bounds = array<i64: 3, 32>}, {pipeline_mode = #tpu.pipeline_mode<synchronous>, transform_indices = @transform_4, window_bounds = array<i64: 1, 32>}, {pipeline_mode = #tpu.pipeline_mode<synchronous>, transform_indices = @transform_5, window_bounds = array<i64: 32, 32>}, {pipeline_mode = #tpu.pipeline_mode<synchronous>, transform_indices = @transform_6, window_bounds = array<i64: 1, 32>}, {pipeline_mode = #tpu.pipeline_mode<synchronous>, transform_indices = @transform_7, window_bounds = array<i64: 32, 1>}, {pipeline_mode = #tpu.pipeline_mode<synchronous>, transform_indices = @transform_8, window_bounds = array<i64: 35, 64>}, {pipeline_mode = #tpu.pipeline_mode<synchronous>, transform_indices = @transform_9, window_bounds = array<i64: 1, 64>}, {pipeline_mode = #tpu.pipeline_mode<synchronous>, transform_indices = @transform_10, window_bounds = array<i64: 64, 32>}, {pipeline_mode = #tpu.pipeline_mode<synchronous>, transform_indices = @transform_11, window_bounds = array<i64: 1, 32>}, {pipeline_mode = #tpu.pipeline_mode<synchronous>, transform_indices = @transform_12, window_bounds = array<i64: 216, 3>}, {transform_indices = @transform_13, window_bounds = array<i64: 1, 64, 3>}, {transform_indices = @transform_14, window_bounds = array<i64: 1, 64, 3>}, {transform_indices = @transform_15, window_bounds = array<i64: 1, 13824, 1>}, {transform_indices = @transform_16, window_bounds = array<i64: 1, 64, 32>}, {transform_indices = @transform_17, window_bounds = array<i64: 1, 2048, 128>}]} {
    %get3A = arith.constant 0 : index
    %get3A_0 = arith.constant 0 : index
    %get3A_1 = arith.constant 0 : index
    %get3A_2 = vector.load %arg1[%get3A, %get3A_0, %get3A_1] : memref<1x3x2048xf32, #tpu.memory_space<vmem>>, vector<1x3x2048xf32>
    %get3A_3 = vector.shape_cast %get3A_2 : vector<1x3x2048xf32> to vector<3x2048xf32>
    %get3A_4 = arith.constant 0 : index
    %get3A_5 = arith.constant 0 : index
    %get3A_6 = arith.constant 0 : index
    %get3A_7 = vector.load %arg2[%get3A_4, %get3A_5, %get3A_6] : memref<1x3x2048xf32, #tpu.memory_space<vmem>>, vector<1x3x2048xf32>
    %get3A_8 = vector.shape_cast %get3A_7 : vector<1x3x2048xf32> to vector<3x2048xf32>
    %get3A_9 = arith.constant 0 : index
    %get3A_10 = arith.constant 0 : index
    %get3A_11 = vector.load %arg4[%get3A_9, %get3A_10] : memref<3x32xf32, #tpu.memory_space<vmem>>, vector<3x32xf32>
    %get3A_12 = arith.constant 0 : index
    %get3A_13 = arith.constant 0 : index
    %get3A_14 = vector.load %arg5[%get3A_12, %get3A_13] : memref<1x32xf32, #tpu.memory_space<vmem>>, vector<1x32xf32>
    %get3A_15 = arith.constant 0 : index
    %get3A_16 = arith.constant 0 : index
    %get3A_17 = vector.load %arg6[%get3A_15, %get3A_16] : memref<32x32xf32, #tpu.memory_space<vmem>>, vector<32x32xf32>
    %get3A_18 = arith.constant 0 : index
    %get3A_19 = arith.constant 0 : index
    %get3A_20 = vector.load %arg7[%get3A_18, %get3A_19] : memref<1x32xf32, #tpu.memory_space<vmem>>, vector<1x32xf32>
    %dot_general3A = arith.constant dense<0.000000e+00> : vector<2048x32xf32>
    %dot_general3A_21 = tpu.matmul %get3A_3, %get3A_11, %dot_general3A {dimension_numbers = #tpu.dot_dimension_numbers<[0], [0], [1], [1], [0, 1, 1, 1], [], []>, transpose_lhs_hint = false} : vector<3x2048xf32>, vector<3x32xf32>, vector<2048x32xf32> -> vector<2048x32xf32>
    %add3A = vector.broadcast %get3A_14 : vector<1x32xf32> to vector<2048x32xf32>
    %add3A_22 = arith.addf %dot_general3A_21, %add3A : vector<2048x32xf32>
    %max3A = arith.constant 0.000000e+00 : f32
    %max3A_23 = vector.broadcast %max3A : f32 to vector<2048x32xf32>
    %max3A_24 = arith.maximumf %add3A_22, %max3A_23 : vector<2048x32xf32>
    %dot_general3A_25 = arith.constant dense<0.000000e+00> : vector<2048x32xf32>
    %dot_general3A_26 = tpu.matmul %max3A_24, %get3A_17, %dot_general3A_25 {dimension_numbers = #tpu.dot_dimension_numbers<[1], [0], [0], [1], [0, 0, 1, 1], [], []>, transpose_lhs_hint = false} : vector<2048x32xf32>, vector<32x32xf32>, vector<2048x32xf32> -> vector<2048x32xf32>
    %add3A_27 = vector.broadcast %get3A_20 : vector<1x32xf32> to vector<2048x32xf32>
    %add3A_28 = arith.addf %dot_general3A_26, %add3A_27 : vector<2048x32xf32>
    %max3A_29 = arith.constant 0.000000e+00 : f32
    %max3A_30 = vector.broadcast %max3A_29 : f32 to vector<2048x32xf32>
    %max3A_31 = arith.maximumf %add3A_28, %max3A_30 : vector<2048x32xf32>
    %dot_general3A_32 = arith.constant dense<0.000000e+00> : vector<2048x32xf32>
    %dot_general3A_33 = tpu.matmul %get3A_8, %get3A_11, %dot_general3A_32 {dimension_numbers = #tpu.dot_dimension_numbers<[0], [0], [1], [1], [0, 1, 1, 1], [], []>, transpose_lhs_hint = false} : vector<3x2048xf32>, vector<3x32xf32>, vector<2048x32xf32> -> vector<2048x32xf32>
    %add3A_34 = vector.broadcast %get3A_14 : vector<1x32xf32> to vector<2048x32xf32>
    %add3A_35 = arith.addf %dot_general3A_33, %add3A_34 : vector<2048x32xf32>
    %max3A_36 = arith.constant 0.000000e+00 : f32
    %max3A_37 = vector.broadcast %max3A_36 : f32 to vector<2048x32xf32>
    %max3A_38 = arith.maximumf %add3A_35, %max3A_37 : vector<2048x32xf32>
    %dot_general3A_39 = arith.constant dense<0.000000e+00> : vector<2048x32xf32>
    %dot_general3A_40 = tpu.matmul %max3A_38, %get3A_17, %dot_general3A_39 {dimension_numbers = #tpu.dot_dimension_numbers<[1], [0], [0], [1], [0, 0, 1, 1], [], []>, transpose_lhs_hint = false} : vector<2048x32xf32>, vector<32x32xf32>, vector<2048x32xf32> -> vector<2048x32xf32>
    %add3A_41 = vector.broadcast %get3A_20 : vector<1x32xf32> to vector<2048x32xf32>
    %add3A_42 = arith.addf %dot_general3A_40, %add3A_41 : vector<2048x32xf32>
    %max3A_43 = arith.constant 0.000000e+00 : f32
    %max3A_44 = vector.broadcast %max3A_43 : f32 to vector<2048x32xf32>
    %max3A_45 = arith.maximumf %add3A_42, %max3A_44 : vector<2048x32xf32>
    %get3A_46 = arith.constant 0 : index
    %get3A_47 = arith.constant 0 : index
    %get3A_48 = vector.load %arg8[%get3A_46, %get3A_47] : memref<32x1xf32, #tpu.memory_space<vmem>>, vector<32x1xf32>
    %dot_general3A_49 = arith.constant dense<0.000000e+00> : vector<1x2048xf32>
    %dot_general3A_50 = tpu.matmul %get3A_48, %max3A_31, %dot_general3A_49 {dimension_numbers = #tpu.dot_dimension_numbers<[0], [1], [1], [0], [0, 1, 1, 0], [], []>, transpose_lhs_hint = false} : vector<32x1xf32>, vector<2048x32xf32>, vector<1x2048xf32> -> vector<1x2048xf32>
    %iota3A = tpu.iota {dimensions = array<i32: 1>} : vector<1x2048xi32>
    %iota3A_51 = tpu.iota {dimensions = array<i32: 0>} : vector<64x1xi32>
    %iota3A_52 = tpu.iota {dimensions = array<i32: 1>} : vector<64x2048xi32>
    %broadcast_in_dim3A = arith.constant 0 : i32
    %broadcast_in_dim3A_53 = vector.broadcast %broadcast_in_dim3A : i32 to vector<64x1xi32>
    %scan3A = arith.constant 0 : i32
    %scan3A_54 = arith.constant 64 : i32
    %scan3A_55 = arith.addi %scan3A, %scan3A_54 : i32
    %scan3A_56 = arith.constant 1 : i32
    %scan3A_57:2 = scf.for %scan3A_457 = %scan3A to %scan3A_55 step %scan3A_56 iter_args(%scan3A_458 = %dot_general3A_50, %scan3A_459 = %broadcast_in_dim3A_53) -> (vector<1x2048xf32>, vector<64x1xi32>)  : i32 {
      %reduce_max3A_460 = vector.shape_cast %scan3A_458 : vector<1x2048xf32> to vector<1x1x2048xf32>
      %reduce_max3A_461 = arith.constant dense<0xFF800000> : vector<1xf32>
      %reduce_max3A_462 = vector.multi_reduction <maximumf>, %reduce_max3A_460, %reduce_max3A_461 [1, 2] : vector<1x1x2048xf32> to vector<1xf32>
      %reduce_max3A_463 = vector.shape_cast %reduce_max3A_462 : vector<1xf32> to vector<1x1x1xf32>
      %reduce_max3A_464 = vector.extract %reduce_max3A_463[0, 0, 0] : f32 from vector<1x1x1xf32>
      %eq3A_465 = vector.broadcast %reduce_max3A_464 : f32 to vector<1x2048xf32>
      %eq3A_466 = arith.cmpf oeq, %scan3A_458, %eq3A_465 : vector<1x2048xf32>
      %jit3A_467 = arith.constant 2048 : i32
      %broadcast_in_dim3A_468 = vector.broadcast %jit3A_467 : i32 to vector<1x2048xi32>
      %select_n3A_469 = arith.select %eq3A_466, %iota3A, %broadcast_in_dim3A_468 : vector<1x2048xi1>, vector<1x2048xi32>
      %reduce_min3A = vector.shape_cast %select_n3A_469 : vector<1x2048xi32> to vector<1x1x2048xi32>
      %reduce_min3A_470 = arith.constant dense<2147483647> : vector<1xi32>
      %reduce_min3A_471 = vector.multi_reduction <minsi>, %reduce_min3A, %reduce_min3A_470 [1, 2] : vector<1x1x2048xi32> to vector<1xi32>
      %reduce_min3A_472 = vector.shape_cast %reduce_min3A_471 : vector<1xi32> to vector<1x1x1xi32>
      %reduce_min3A_473 = vector.extract %reduce_min3A_472[0, 0, 0] : i32 from vector<1x1x1xi32>
      %eq3A_474 = vector.broadcast %scan3A_457 : i32 to vector<64x1xi32>
      %eq3A_475 = arith.cmpi eq, %iota3A_51, %eq3A_474 : vector<64x1xi32>
      %broadcast_in_dim3A_476 = vector.broadcast %reduce_min3A_473 : i32 to vector<64x1xi32>
      %select_n3A_477 = arith.select %eq3A_475, %broadcast_in_dim3A_476, %scan3A_459 : vector<64x1xi1>, vector<64x1xi32>
      %eq3A_478 = vector.broadcast %reduce_min3A_473 : i32 to vector<1x2048xi32>
      %eq3A_479 = arith.cmpi eq, %iota3A, %eq3A_478 : vector<1x2048xi32>
      %jit3A_480 = arith.constant 0xFF800000 : f32
      %broadcast_in_dim3A_481 = vector.broadcast %jit3A_480 : f32 to vector<1x2048xf32>
      %select_n3A_482 = arith.select %eq3A_479, %broadcast_in_dim3A_481, %scan3A_458 : vector<1x2048xi1>, vector<1x2048xf32>
      scf.yield %select_n3A_482, %select_n3A_477 : vector<1x2048xf32>, vector<64x1xi32>
    }
    %scan3A_58 = arith.constant 64 : i32
    %eq3A = vector.broadcast %scan3A_57#1 : vector<64x1xi32> to vector<64x2048xi32>
    %eq3A_59 = arith.cmpi eq, %iota3A_52, %eq3A : vector<64x2048xi32>
    %jit3A = arith.constant 1.000000e+00 : f32
    %jit3A_60 = arith.constant 0.000000e+00 : f32
    %broadcast_in_dim3A_61 = vector.broadcast %jit3A : f32 to vector<64x2048xf32>
    %broadcast_in_dim3A_62 = vector.broadcast %jit3A_60 : f32 to vector<64x2048xf32>
    %select_n3A = arith.select %eq3A_59, %broadcast_in_dim3A_61, %broadcast_in_dim3A_62 : vector<64x2048xi1>, vector<64x2048xf32>
    %dot_general3A_63 = arith.constant dense<0.000000e+00> : vector<64x3xf32>
    %dot_general3A_64 = tpu.matmul %select_n3A, %get3A_3, %dot_general3A_63 {dimension_numbers = #tpu.dot_dimension_numbers<[1], [1], [0], [0], [0, 0, 1, 0], [], []>, precision = #tpu.contract_precision<fp32>, transpose_lhs_hint = false} : vector<64x2048xf32>, vector<3x2048xf32>, vector<64x3xf32> -> vector<64x3xf32>
    %dot_general3A_65 = arith.constant dense<0.000000e+00> : vector<64x32xf32>
    %dot_general3A_66 = tpu.matmul %select_n3A, %max3A_31, %dot_general3A_65 {dimension_numbers = #tpu.dot_dimension_numbers<[1], [0], [0], [1], [0, 0, 1, 1], [], []>, precision = #tpu.contract_precision<fp32>, transpose_lhs_hint = false} : vector<64x2048xf32>, vector<2048x32xf32>, vector<64x32xf32> -> vector<64x32xf32>
    %dot_general3A_67 = arith.constant dense<0.000000e+00> : vector<3x64xf32>
    %dot_general3A_68 = tpu.matmul %get3A_3, %select_n3A, %dot_general3A_67 {dimension_numbers = #tpu.dot_dimension_numbers<[1], [1], [0], [0], [0, 0, 1, 0], [], []>, precision = #tpu.contract_precision<fp32>, transpose_lhs_hint = false} : vector<3x2048xf32>, vector<64x2048xf32>, vector<3x64xf32> -> vector<3x64xf32>
    %slice3A = vector.extract_strided_slice %dot_general3A_64 {offsets = [0, 0], sizes = [64, 1], strides = [1, 1]} : vector<64x3xf32> to vector<64x1xf32>
    %slice3A_69 = vector.extract_strided_slice %dot_general3A_68 {offsets = [0, 0], sizes = [1, 64], strides = [1, 1]} : vector<3x64xf32> to vector<1x64xf32>
    %sub3A = vector.broadcast %slice3A : vector<64x1xf32> to vector<64x64xf32>
    %sub3A_70 = vector.broadcast %slice3A_69 : vector<1x64xf32> to vector<64x64xf32>
    %sub3A_71 = arith.subf %sub3A, %sub3A_70 : vector<64x64xf32>
    %slice3A_72 = vector.extract_strided_slice %dot_general3A_64 {offsets = [0, 1], sizes = [64, 1], strides = [1, 1]} : vector<64x3xf32> to vector<64x1xf32>
    %slice3A_73 = vector.extract_strided_slice %dot_general3A_68 {offsets = [1, 0], sizes = [1, 64], strides = [1, 1]} : vector<3x64xf32> to vector<1x64xf32>
    %sub3A_74 = vector.broadcast %slice3A_72 : vector<64x1xf32> to vector<64x64xf32>
    %sub3A_75 = vector.broadcast %slice3A_73 : vector<1x64xf32> to vector<64x64xf32>
    %sub3A_76 = arith.subf %sub3A_74, %sub3A_75 : vector<64x64xf32>
    %slice3A_77 = vector.extract_strided_slice %dot_general3A_64 {offsets = [0, 2], sizes = [64, 1], strides = [1, 1]} : vector<64x3xf32> to vector<64x1xf32>
    %slice3A_78 = vector.extract_strided_slice %dot_general3A_68 {offsets = [2, 0], sizes = [1, 64], strides = [1, 1]} : vector<3x64xf32> to vector<1x64xf32>
    %sub3A_79 = vector.broadcast %slice3A_77 : vector<64x1xf32> to vector<64x64xf32>
    %sub3A_80 = vector.broadcast %slice3A_78 : vector<1x64xf32> to vector<64x64xf32>
    %sub3A_81 = arith.subf %sub3A_79, %sub3A_80 : vector<64x64xf32>
    %mul3A = arith.mulf %sub3A_71, %sub3A_71 : vector<64x64xf32>
    %mul3A_82 = arith.mulf %sub3A_76, %sub3A_76 : vector<64x64xf32>
    %add3A_83 = arith.addf %mul3A, %mul3A_82 : vector<64x64xf32>
    %mul3A_84 = arith.mulf %sub3A_81, %sub3A_81 : vector<64x64xf32>
    %add3A_85 = arith.addf %add3A_83, %mul3A_84 : vector<64x64xf32>
    %iota3A_86 = tpu.iota {dimensions = array<i32: 1>} : vector<64x64xi32>
    %iota3A_87 = tpu.iota {dimensions = array<i32: 1>} : vector<64x32xi32>
    %broadcast_in_dim3A_88 = arith.constant 0 : i32
    %broadcast_in_dim3A_89 = vector.broadcast %broadcast_in_dim3A_88 : i32 to vector<64x32xi32>
    %scan3A_90 = arith.constant 0 : i32
    %scan3A_91 = arith.constant 32 : i32
    %scan3A_92 = arith.addi %scan3A_90, %scan3A_91 : i32
    %scan3A_93 = arith.constant 1 : i32
    %scan3A_94:2 = scf.for %scan3A_457 = %scan3A_90 to %scan3A_92 step %scan3A_93 iter_args(%scan3A_458 = %add3A_85, %scan3A_459 = %broadcast_in_dim3A_89) -> (vector<64x64xf32>, vector<64x32xi32>)  : i32 {
      %reduce_min3A = arith.constant dense<0x7F800000> : vector<64xf32>
      %reduce_min3A_460 = vector.multi_reduction <minimumf>, %scan3A_458, %reduce_min3A [1] : vector<64x64xf32> to vector<64xf32>
      %broadcast_in_dim3A_461 = vector.shape_cast %reduce_min3A_460 : vector<64xf32> to vector<64x1xf32>
      %eq3A_462 = vector.broadcast %broadcast_in_dim3A_461 : vector<64x1xf32> to vector<64x64xf32>
      %eq3A_463 = arith.cmpf oeq, %scan3A_458, %eq3A_462 : vector<64x64xf32>
      %jit3A_464 = arith.constant 64 : i32
      %broadcast_in_dim3A_465 = vector.broadcast %jit3A_464 : i32 to vector<64x64xi32>
      %select_n3A_466 = arith.select %eq3A_463, %iota3A_86, %broadcast_in_dim3A_465 : vector<64x64xi1>, vector<64x64xi32>
      %reduce_min3A_467 = arith.constant dense<2147483647> : vector<64xi32>
      %reduce_min3A_468 = vector.multi_reduction <minsi>, %select_n3A_466, %reduce_min3A_467 [1] : vector<64x64xi32> to vector<64xi32>
      %broadcast_in_dim3A_469 = vector.shape_cast %reduce_min3A_468 : vector<64xi32> to vector<64x1xi32>
      %eq3A_470 = vector.broadcast %scan3A_457 : i32 to vector<64x32xi32>
      %eq3A_471 = arith.cmpi eq, %iota3A_87, %eq3A_470 : vector<64x32xi32>
      %broadcast_in_dim3A_472 = vector.shape_cast %broadcast_in_dim3A_469 : vector<64x1xi32> to vector<64x1xi32>
      %broadcast_in_dim3A_473 = vector.broadcast %broadcast_in_dim3A_472 : vector<64x1xi32> to vector<64x32xi32>
      %select_n3A_474 = arith.select %eq3A_471, %broadcast_in_dim3A_473, %scan3A_459 : vector<64x32xi1>, vector<64x32xi32>
      %eq3A_475 = vector.broadcast %broadcast_in_dim3A_469 : vector<64x1xi32> to vector<64x64xi32>
      %eq3A_476 = arith.cmpi eq, %iota3A_86, %eq3A_475 : vector<64x64xi32>
      %jit3A_477 = arith.constant 0x7F800000 : f32
      %broadcast_in_dim3A_478 = vector.broadcast %jit3A_477 : f32 to vector<64x64xf32>
      %select_n3A_479 = arith.select %eq3A_476, %broadcast_in_dim3A_478, %scan3A_458 : vector<64x64xi1>, vector<64x64xf32>
      scf.yield %select_n3A_479, %select_n3A_474 : vector<64x64xf32>, vector<64x32xi32>
    }
    %scan3A_95 = arith.constant 32 : i32
    %slice3A_96 = vector.extract_strided_slice %scan3A_94#1 {offsets = [0, 0], sizes = [64, 1], strides = [1, 1]} : vector<64x32xi32> to vector<64x1xi32>
    %eq3A_97 = vector.broadcast %slice3A_96 : vector<64x1xi32> to vector<64x64xi32>
    %eq3A_98 = arith.cmpi eq, %iota3A_86, %eq3A_97 : vector<64x64xi32>
    %jit3A_99 = arith.constant 1.000000e+00 : f32
    %jit3A_100 = arith.constant 0.000000e+00 : f32
    %broadcast_in_dim3A_101 = vector.broadcast %jit3A_99 : f32 to vector<64x64xf32>
    %broadcast_in_dim3A_102 = vector.broadcast %jit3A_100 : f32 to vector<64x64xf32>
    %select_n3A_103 = arith.select %eq3A_98, %broadcast_in_dim3A_101, %broadcast_in_dim3A_102 : vector<64x64xi1>, vector<64x64xf32>
    %slice3A_104 = vector.extract_strided_slice %scan3A_94#1 {offsets = [0, 1], sizes = [64, 1], strides = [1, 1]} : vector<64x32xi32> to vector<64x1xi32>
    %eq3A_105 = vector.broadcast %slice3A_104 : vector<64x1xi32> to vector<64x64xi32>
    %eq3A_106 = arith.cmpi eq, %iota3A_86, %eq3A_105 : vector<64x64xi32>
    %jit3A_107 = arith.constant 1.000000e+00 : f32
    %jit3A_108 = arith.constant 0.000000e+00 : f32
    %broadcast_in_dim3A_109 = vector.broadcast %jit3A_107 : f32 to vector<64x64xf32>
    %broadcast_in_dim3A_110 = vector.broadcast %jit3A_108 : f32 to vector<64x64xf32>
    %select_n3A_111 = arith.select %eq3A_106, %broadcast_in_dim3A_109, %broadcast_in_dim3A_110 : vector<64x64xi1>, vector<64x64xf32>
    %slice3A_112 = vector.extract_strided_slice %scan3A_94#1 {offsets = [0, 2], sizes = [64, 1], strides = [1, 1]} : vector<64x32xi32> to vector<64x1xi32>
    %eq3A_113 = vector.broadcast %slice3A_112 : vector<64x1xi32> to vector<64x64xi32>
    %eq3A_114 = arith.cmpi eq, %iota3A_86, %eq3A_113 : vector<64x64xi32>
    %jit3A_115 = arith.constant 1.000000e+00 : f32
    %jit3A_116 = arith.constant 0.000000e+00 : f32
    %broadcast_in_dim3A_117 = vector.broadcast %jit3A_115 : f32 to vector<64x64xf32>
    %broadcast_in_dim3A_118 = vector.broadcast %jit3A_116 : f32 to vector<64x64xf32>
    %select_n3A_119 = arith.select %eq3A_114, %broadcast_in_dim3A_117, %broadcast_in_dim3A_118 : vector<64x64xi1>, vector<64x64xf32>
    %slice3A_120 = vector.extract_strided_slice %scan3A_94#1 {offsets = [0, 3], sizes = [64, 1], strides = [1, 1]} : vector<64x32xi32> to vector<64x1xi32>
    %eq3A_121 = vector.broadcast %slice3A_120 : vector<64x1xi32> to vector<64x64xi32>
    %eq3A_122 = arith.cmpi eq, %iota3A_86, %eq3A_121 : vector<64x64xi32>
    %jit3A_123 = arith.constant 1.000000e+00 : f32
    %jit3A_124 = arith.constant 0.000000e+00 : f32
    %broadcast_in_dim3A_125 = vector.broadcast %jit3A_123 : f32 to vector<64x64xf32>
    %broadcast_in_dim3A_126 = vector.broadcast %jit3A_124 : f32 to vector<64x64xf32>
    %select_n3A_127 = arith.select %eq3A_122, %broadcast_in_dim3A_125, %broadcast_in_dim3A_126 : vector<64x64xi1>, vector<64x64xf32>
    %slice3A_128 = vector.extract_strided_slice %scan3A_94#1 {offsets = [0, 4], sizes = [64, 1], strides = [1, 1]} : vector<64x32xi32> to vector<64x1xi32>
    %eq3A_129 = vector.broadcast %slice3A_128 : vector<64x1xi32> to vector<64x64xi32>
    %eq3A_130 = arith.cmpi eq, %iota3A_86, %eq3A_129 : vector<64x64xi32>
    %jit3A_131 = arith.constant 1.000000e+00 : f32
    %jit3A_132 = arith.constant 0.000000e+00 : f32
    %broadcast_in_dim3A_133 = vector.broadcast %jit3A_131 : f32 to vector<64x64xf32>
    %broadcast_in_dim3A_134 = vector.broadcast %jit3A_132 : f32 to vector<64x64xf32>
    %select_n3A_135 = arith.select %eq3A_130, %broadcast_in_dim3A_133, %broadcast_in_dim3A_134 : vector<64x64xi1>, vector<64x64xf32>
    %slice3A_136 = vector.extract_strided_slice %scan3A_94#1 {offsets = [0, 5], sizes = [64, 1], strides = [1, 1]} : vector<64x32xi32> to vector<64x1xi32>
    %eq3A_137 = vector.broadcast %slice3A_136 : vector<64x1xi32> to vector<64x64xi32>
    %eq3A_138 = arith.cmpi eq, %iota3A_86, %eq3A_137 : vector<64x64xi32>
    %jit3A_139 = arith.constant 1.000000e+00 : f32
    %jit3A_140 = arith.constant 0.000000e+00 : f32
    %broadcast_in_dim3A_141 = vector.broadcast %jit3A_139 : f32 to vector<64x64xf32>
    %broadcast_in_dim3A_142 = vector.broadcast %jit3A_140 : f32 to vector<64x64xf32>
    %select_n3A_143 = arith.select %eq3A_138, %broadcast_in_dim3A_141, %broadcast_in_dim3A_142 : vector<64x64xi1>, vector<64x64xf32>
    %slice3A_144 = vector.extract_strided_slice %scan3A_94#1 {offsets = [0, 6], sizes = [64, 1], strides = [1, 1]} : vector<64x32xi32> to vector<64x1xi32>
    %eq3A_145 = vector.broadcast %slice3A_144 : vector<64x1xi32> to vector<64x64xi32>
    %eq3A_146 = arith.cmpi eq, %iota3A_86, %eq3A_145 : vector<64x64xi32>
    %jit3A_147 = arith.constant 1.000000e+00 : f32
    %jit3A_148 = arith.constant 0.000000e+00 : f32
    %broadcast_in_dim3A_149 = vector.broadcast %jit3A_147 : f32 to vector<64x64xf32>
    %broadcast_in_dim3A_150 = vector.broadcast %jit3A_148 : f32 to vector<64x64xf32>
    %select_n3A_151 = arith.select %eq3A_146, %broadcast_in_dim3A_149, %broadcast_in_dim3A_150 : vector<64x64xi1>, vector<64x64xf32>
    %slice3A_152 = vector.extract_strided_slice %scan3A_94#1 {offsets = [0, 7], sizes = [64, 1], strides = [1, 1]} : vector<64x32xi32> to vector<64x1xi32>
    %eq3A_153 = vector.broadcast %slice3A_152 : vector<64x1xi32> to vector<64x64xi32>
    %eq3A_154 = arith.cmpi eq, %iota3A_86, %eq3A_153 : vector<64x64xi32>
    %jit3A_155 = arith.constant 1.000000e+00 : f32
    %jit3A_156 = arith.constant 0.000000e+00 : f32
    %broadcast_in_dim3A_157 = vector.broadcast %jit3A_155 : f32 to vector<64x64xf32>
    %broadcast_in_dim3A_158 = vector.broadcast %jit3A_156 : f32 to vector<64x64xf32>
    %select_n3A_159 = arith.select %eq3A_154, %broadcast_in_dim3A_157, %broadcast_in_dim3A_158 : vector<64x64xi1>, vector<64x64xf32>
    %slice3A_160 = vector.extract_strided_slice %scan3A_94#1 {offsets = [0, 8], sizes = [64, 1], strides = [1, 1]} : vector<64x32xi32> to vector<64x1xi32>
    %eq3A_161 = vector.broadcast %slice3A_160 : vector<64x1xi32> to vector<64x64xi32>
    %eq3A_162 = arith.cmpi eq, %iota3A_86, %eq3A_161 : vector<64x64xi32>
    %jit3A_163 = arith.constant 1.000000e+00 : f32
    %jit3A_164 = arith.constant 0.000000e+00 : f32
    %broadcast_in_dim3A_165 = vector.broadcast %jit3A_163 : f32 to vector<64x64xf32>
    %broadcast_in_dim3A_166 = vector.broadcast %jit3A_164 : f32 to vector<64x64xf32>
    %select_n3A_167 = arith.select %eq3A_162, %broadcast_in_dim3A_165, %broadcast_in_dim3A_166 : vector<64x64xi1>, vector<64x64xf32>
    %slice3A_168 = vector.extract_strided_slice %scan3A_94#1 {offsets = [0, 9], sizes = [64, 1], strides = [1, 1]} : vector<64x32xi32> to vector<64x1xi32>
    %eq3A_169 = vector.broadcast %slice3A_168 : vector<64x1xi32> to vector<64x64xi32>
    %eq3A_170 = arith.cmpi eq, %iota3A_86, %eq3A_169 : vector<64x64xi32>
    %jit3A_171 = arith.constant 1.000000e+00 : f32
    %jit3A_172 = arith.constant 0.000000e+00 : f32
    %broadcast_in_dim3A_173 = vector.broadcast %jit3A_171 : f32 to vector<64x64xf32>
    %broadcast_in_dim3A_174 = vector.broadcast %jit3A_172 : f32 to vector<64x64xf32>
    %select_n3A_175 = arith.select %eq3A_170, %broadcast_in_dim3A_173, %broadcast_in_dim3A_174 : vector<64x64xi1>, vector<64x64xf32>
    %slice3A_176 = vector.extract_strided_slice %scan3A_94#1 {offsets = [0, 10], sizes = [64, 1], strides = [1, 1]} : vector<64x32xi32> to vector<64x1xi32>
    %eq3A_177 = vector.broadcast %slice3A_176 : vector<64x1xi32> to vector<64x64xi32>
    %eq3A_178 = arith.cmpi eq, %iota3A_86, %eq3A_177 : vector<64x64xi32>
    %jit3A_179 = arith.constant 1.000000e+00 : f32
    %jit3A_180 = arith.constant 0.000000e+00 : f32
    %broadcast_in_dim3A_181 = vector.broadcast %jit3A_179 : f32 to vector<64x64xf32>
    %broadcast_in_dim3A_182 = vector.broadcast %jit3A_180 : f32 to vector<64x64xf32>
    %select_n3A_183 = arith.select %eq3A_178, %broadcast_in_dim3A_181, %broadcast_in_dim3A_182 : vector<64x64xi1>, vector<64x64xf32>
    %slice3A_184 = vector.extract_strided_slice %scan3A_94#1 {offsets = [0, 11], sizes = [64, 1], strides = [1, 1]} : vector<64x32xi32> to vector<64x1xi32>
    %eq3A_185 = vector.broadcast %slice3A_184 : vector<64x1xi32> to vector<64x64xi32>
    %eq3A_186 = arith.cmpi eq, %iota3A_86, %eq3A_185 : vector<64x64xi32>
    %jit3A_187 = arith.constant 1.000000e+00 : f32
    %jit3A_188 = arith.constant 0.000000e+00 : f32
    %broadcast_in_dim3A_189 = vector.broadcast %jit3A_187 : f32 to vector<64x64xf32>
    %broadcast_in_dim3A_190 = vector.broadcast %jit3A_188 : f32 to vector<64x64xf32>
    %select_n3A_191 = arith.select %eq3A_186, %broadcast_in_dim3A_189, %broadcast_in_dim3A_190 : vector<64x64xi1>, vector<64x64xf32>
    %slice3A_192 = vector.extract_strided_slice %scan3A_94#1 {offsets = [0, 12], sizes = [64, 1], strides = [1, 1]} : vector<64x32xi32> to vector<64x1xi32>
    %eq3A_193 = vector.broadcast %slice3A_192 : vector<64x1xi32> to vector<64x64xi32>
    %eq3A_194 = arith.cmpi eq, %iota3A_86, %eq3A_193 : vector<64x64xi32>
    %jit3A_195 = arith.constant 1.000000e+00 : f32
    %jit3A_196 = arith.constant 0.000000e+00 : f32
    %broadcast_in_dim3A_197 = vector.broadcast %jit3A_195 : f32 to vector<64x64xf32>
    %broadcast_in_dim3A_198 = vector.broadcast %jit3A_196 : f32 to vector<64x64xf32>
    %select_n3A_199 = arith.select %eq3A_194, %broadcast_in_dim3A_197, %broadcast_in_dim3A_198 : vector<64x64xi1>, vector<64x64xf32>
    %slice3A_200 = vector.extract_strided_slice %scan3A_94#1 {offsets = [0, 13], sizes = [64, 1], strides = [1, 1]} : vector<64x32xi32> to vector<64x1xi32>
    %eq3A_201 = vector.broadcast %slice3A_200 : vector<64x1xi32> to vector<64x64xi32>
    %eq3A_202 = arith.cmpi eq, %iota3A_86, %eq3A_201 : vector<64x64xi32>
    %jit3A_203 = arith.constant 1.000000e+00 : f32
    %jit3A_204 = arith.constant 0.000000e+00 : f32
    %broadcast_in_dim3A_205 = vector.broadcast %jit3A_203 : f32 to vector<64x64xf32>
    %broadcast_in_dim3A_206 = vector.broadcast %jit3A_204 : f32 to vector<64x64xf32>
    %select_n3A_207 = arith.select %eq3A_202, %broadcast_in_dim3A_205, %broadcast_in_dim3A_206 : vector<64x64xi1>, vector<64x64xf32>
    %slice3A_208 = vector.extract_strided_slice %scan3A_94#1 {offsets = [0, 14], sizes = [64, 1], strides = [1, 1]} : vector<64x32xi32> to vector<64x1xi32>
    %eq3A_209 = vector.broadcast %slice3A_208 : vector<64x1xi32> to vector<64x64xi32>
    %eq3A_210 = arith.cmpi eq, %iota3A_86, %eq3A_209 : vector<64x64xi32>
    %jit3A_211 = arith.constant 1.000000e+00 : f32
    %jit3A_212 = arith.constant 0.000000e+00 : f32
    %broadcast_in_dim3A_213 = vector.broadcast %jit3A_211 : f32 to vector<64x64xf32>
    %broadcast_in_dim3A_214 = vector.broadcast %jit3A_212 : f32 to vector<64x64xf32>
    %select_n3A_215 = arith.select %eq3A_210, %broadcast_in_dim3A_213, %broadcast_in_dim3A_214 : vector<64x64xi1>, vector<64x64xf32>
    %slice3A_216 = vector.extract_strided_slice %scan3A_94#1 {offsets = [0, 15], sizes = [64, 1], strides = [1, 1]} : vector<64x32xi32> to vector<64x1xi32>
    %eq3A_217 = vector.broadcast %slice3A_216 : vector<64x1xi32> to vector<64x64xi32>
    %eq3A_218 = arith.cmpi eq, %iota3A_86, %eq3A_217 : vector<64x64xi32>
    %jit3A_219 = arith.constant 1.000000e+00 : f32
    %jit3A_220 = arith.constant 0.000000e+00 : f32
    %broadcast_in_dim3A_221 = vector.broadcast %jit3A_219 : f32 to vector<64x64xf32>
    %broadcast_in_dim3A_222 = vector.broadcast %jit3A_220 : f32 to vector<64x64xf32>
    %select_n3A_223 = arith.select %eq3A_218, %broadcast_in_dim3A_221, %broadcast_in_dim3A_222 : vector<64x64xi1>, vector<64x64xf32>
    %slice3A_224 = vector.extract_strided_slice %scan3A_94#1 {offsets = [0, 16], sizes = [64, 1], strides = [1, 1]} : vector<64x32xi32> to vector<64x1xi32>
    %eq3A_225 = vector.broadcast %slice3A_224 : vector<64x1xi32> to vector<64x64xi32>
    %eq3A_226 = arith.cmpi eq, %iota3A_86, %eq3A_225 : vector<64x64xi32>
    %jit3A_227 = arith.constant 1.000000e+00 : f32
    %jit3A_228 = arith.constant 0.000000e+00 : f32
    %broadcast_in_dim3A_229 = vector.broadcast %jit3A_227 : f32 to vector<64x64xf32>
    %broadcast_in_dim3A_230 = vector.broadcast %jit3A_228 : f32 to vector<64x64xf32>
    %select_n3A_231 = arith.select %eq3A_226, %broadcast_in_dim3A_229, %broadcast_in_dim3A_230 : vector<64x64xi1>, vector<64x64xf32>
    %slice3A_232 = vector.extract_strided_slice %scan3A_94#1 {offsets = [0, 17], sizes = [64, 1], strides = [1, 1]} : vector<64x32xi32> to vector<64x1xi32>
    %eq3A_233 = vector.broadcast %slice3A_232 : vector<64x1xi32> to vector<64x64xi32>
    %eq3A_234 = arith.cmpi eq, %iota3A_86, %eq3A_233 : vector<64x64xi32>
    %jit3A_235 = arith.constant 1.000000e+00 : f32
    %jit3A_236 = arith.constant 0.000000e+00 : f32
    %broadcast_in_dim3A_237 = vector.broadcast %jit3A_235 : f32 to vector<64x64xf32>
    %broadcast_in_dim3A_238 = vector.broadcast %jit3A_236 : f32 to vector<64x64xf32>
    %select_n3A_239 = arith.select %eq3A_234, %broadcast_in_dim3A_237, %broadcast_in_dim3A_238 : vector<64x64xi1>, vector<64x64xf32>
    %slice3A_240 = vector.extract_strided_slice %scan3A_94#1 {offsets = [0, 18], sizes = [64, 1], strides = [1, 1]} : vector<64x32xi32> to vector<64x1xi32>
    %eq3A_241 = vector.broadcast %slice3A_240 : vector<64x1xi32> to vector<64x64xi32>
    %eq3A_242 = arith.cmpi eq, %iota3A_86, %eq3A_241 : vector<64x64xi32>
    %jit3A_243 = arith.constant 1.000000e+00 : f32
    %jit3A_244 = arith.constant 0.000000e+00 : f32
    %broadcast_in_dim3A_245 = vector.broadcast %jit3A_243 : f32 to vector<64x64xf32>
    %broadcast_in_dim3A_246 = vector.broadcast %jit3A_244 : f32 to vector<64x64xf32>
    %select_n3A_247 = arith.select %eq3A_242, %broadcast_in_dim3A_245, %broadcast_in_dim3A_246 : vector<64x64xi1>, vector<64x64xf32>
    %slice3A_248 = vector.extract_strided_slice %scan3A_94#1 {offsets = [0, 19], sizes = [64, 1], strides = [1, 1]} : vector<64x32xi32> to vector<64x1xi32>
    %eq3A_249 = vector.broadcast %slice3A_248 : vector<64x1xi32> to vector<64x64xi32>
    %eq3A_250 = arith.cmpi eq, %iota3A_86, %eq3A_249 : vector<64x64xi32>
    %jit3A_251 = arith.constant 1.000000e+00 : f32
    %jit3A_252 = arith.constant 0.000000e+00 : f32
    %broadcast_in_dim3A_253 = vector.broadcast %jit3A_251 : f32 to vector<64x64xf32>
    %broadcast_in_dim3A_254 = vector.broadcast %jit3A_252 : f32 to vector<64x64xf32>
    %select_n3A_255 = arith.select %eq3A_250, %broadcast_in_dim3A_253, %broadcast_in_dim3A_254 : vector<64x64xi1>, vector<64x64xf32>
    %slice3A_256 = vector.extract_strided_slice %scan3A_94#1 {offsets = [0, 20], sizes = [64, 1], strides = [1, 1]} : vector<64x32xi32> to vector<64x1xi32>
    %eq3A_257 = vector.broadcast %slice3A_256 : vector<64x1xi32> to vector<64x64xi32>
    %eq3A_258 = arith.cmpi eq, %iota3A_86, %eq3A_257 : vector<64x64xi32>
    %jit3A_259 = arith.constant 1.000000e+00 : f32
    %jit3A_260 = arith.constant 0.000000e+00 : f32
    %broadcast_in_dim3A_261 = vector.broadcast %jit3A_259 : f32 to vector<64x64xf32>
    %broadcast_in_dim3A_262 = vector.broadcast %jit3A_260 : f32 to vector<64x64xf32>
    %select_n3A_263 = arith.select %eq3A_258, %broadcast_in_dim3A_261, %broadcast_in_dim3A_262 : vector<64x64xi1>, vector<64x64xf32>
    %slice3A_264 = vector.extract_strided_slice %scan3A_94#1 {offsets = [0, 21], sizes = [64, 1], strides = [1, 1]} : vector<64x32xi32> to vector<64x1xi32>
    %eq3A_265 = vector.broadcast %slice3A_264 : vector<64x1xi32> to vector<64x64xi32>
    %eq3A_266 = arith.cmpi eq, %iota3A_86, %eq3A_265 : vector<64x64xi32>
    %jit3A_267 = arith.constant 1.000000e+00 : f32
    %jit3A_268 = arith.constant 0.000000e+00 : f32
    %broadcast_in_dim3A_269 = vector.broadcast %jit3A_267 : f32 to vector<64x64xf32>
    %broadcast_in_dim3A_270 = vector.broadcast %jit3A_268 : f32 to vector<64x64xf32>
    %select_n3A_271 = arith.select %eq3A_266, %broadcast_in_dim3A_269, %broadcast_in_dim3A_270 : vector<64x64xi1>, vector<64x64xf32>
    %slice3A_272 = vector.extract_strided_slice %scan3A_94#1 {offsets = [0, 22], sizes = [64, 1], strides = [1, 1]} : vector<64x32xi32> to vector<64x1xi32>
    %eq3A_273 = vector.broadcast %slice3A_272 : vector<64x1xi32> to vector<64x64xi32>
    %eq3A_274 = arith.cmpi eq, %iota3A_86, %eq3A_273 : vector<64x64xi32>
    %jit3A_275 = arith.constant 1.000000e+00 : f32
    %jit3A_276 = arith.constant 0.000000e+00 : f32
    %broadcast_in_dim3A_277 = vector.broadcast %jit3A_275 : f32 to vector<64x64xf32>
    %broadcast_in_dim3A_278 = vector.broadcast %jit3A_276 : f32 to vector<64x64xf32>
    %select_n3A_279 = arith.select %eq3A_274, %broadcast_in_dim3A_277, %broadcast_in_dim3A_278 : vector<64x64xi1>, vector<64x64xf32>
    %slice3A_280 = vector.extract_strided_slice %scan3A_94#1 {offsets = [0, 23], sizes = [64, 1], strides = [1, 1]} : vector<64x32xi32> to vector<64x1xi32>
    %eq3A_281 = vector.broadcast %slice3A_280 : vector<64x1xi32> to vector<64x64xi32>
    %eq3A_282 = arith.cmpi eq, %iota3A_86, %eq3A_281 : vector<64x64xi32>
    %jit3A_283 = arith.constant 1.000000e+00 : f32
    %jit3A_284 = arith.constant 0.000000e+00 : f32
    %broadcast_in_dim3A_285 = vector.broadcast %jit3A_283 : f32 to vector<64x64xf32>
    %broadcast_in_dim3A_286 = vector.broadcast %jit3A_284 : f32 to vector<64x64xf32>
    %select_n3A_287 = arith.select %eq3A_282, %broadcast_in_dim3A_285, %broadcast_in_dim3A_286 : vector<64x64xi1>, vector<64x64xf32>
    %slice3A_288 = vector.extract_strided_slice %scan3A_94#1 {offsets = [0, 24], sizes = [64, 1], strides = [1, 1]} : vector<64x32xi32> to vector<64x1xi32>
    %eq3A_289 = vector.broadcast %slice3A_288 : vector<64x1xi32> to vector<64x64xi32>
    %eq3A_290 = arith.cmpi eq, %iota3A_86, %eq3A_289 : vector<64x64xi32>
    %jit3A_291 = arith.constant 1.000000e+00 : f32
    %jit3A_292 = arith.constant 0.000000e+00 : f32
    %broadcast_in_dim3A_293 = vector.broadcast %jit3A_291 : f32 to vector<64x64xf32>
    %broadcast_in_dim3A_294 = vector.broadcast %jit3A_292 : f32 to vector<64x64xf32>
    %select_n3A_295 = arith.select %eq3A_290, %broadcast_in_dim3A_293, %broadcast_in_dim3A_294 : vector<64x64xi1>, vector<64x64xf32>
    %slice3A_296 = vector.extract_strided_slice %scan3A_94#1 {offsets = [0, 25], sizes = [64, 1], strides = [1, 1]} : vector<64x32xi32> to vector<64x1xi32>
    %eq3A_297 = vector.broadcast %slice3A_296 : vector<64x1xi32> to vector<64x64xi32>
    %eq3A_298 = arith.cmpi eq, %iota3A_86, %eq3A_297 : vector<64x64xi32>
    %jit3A_299 = arith.constant 1.000000e+00 : f32
    %jit3A_300 = arith.constant 0.000000e+00 : f32
    %broadcast_in_dim3A_301 = vector.broadcast %jit3A_299 : f32 to vector<64x64xf32>
    %broadcast_in_dim3A_302 = vector.broadcast %jit3A_300 : f32 to vector<64x64xf32>
    %select_n3A_303 = arith.select %eq3A_298, %broadcast_in_dim3A_301, %broadcast_in_dim3A_302 : vector<64x64xi1>, vector<64x64xf32>
    %slice3A_304 = vector.extract_strided_slice %scan3A_94#1 {offsets = [0, 26], sizes = [64, 1], strides = [1, 1]} : vector<64x32xi32> to vector<64x1xi32>
    %eq3A_305 = vector.broadcast %slice3A_304 : vector<64x1xi32> to vector<64x64xi32>
    %eq3A_306 = arith.cmpi eq, %iota3A_86, %eq3A_305 : vector<64x64xi32>
    %jit3A_307 = arith.constant 1.000000e+00 : f32
    %jit3A_308 = arith.constant 0.000000e+00 : f32
    %broadcast_in_dim3A_309 = vector.broadcast %jit3A_307 : f32 to vector<64x64xf32>
    %broadcast_in_dim3A_310 = vector.broadcast %jit3A_308 : f32 to vector<64x64xf32>
    %select_n3A_311 = arith.select %eq3A_306, %broadcast_in_dim3A_309, %broadcast_in_dim3A_310 : vector<64x64xi1>, vector<64x64xf32>
    %slice3A_312 = vector.extract_strided_slice %scan3A_94#1 {offsets = [0, 27], sizes = [64, 1], strides = [1, 1]} : vector<64x32xi32> to vector<64x1xi32>
    %eq3A_313 = vector.broadcast %slice3A_312 : vector<64x1xi32> to vector<64x64xi32>
    %eq3A_314 = arith.cmpi eq, %iota3A_86, %eq3A_313 : vector<64x64xi32>
    %jit3A_315 = arith.constant 1.000000e+00 : f32
    %jit3A_316 = arith.constant 0.000000e+00 : f32
    %broadcast_in_dim3A_317 = vector.broadcast %jit3A_315 : f32 to vector<64x64xf32>
    %broadcast_in_dim3A_318 = vector.broadcast %jit3A_316 : f32 to vector<64x64xf32>
    %select_n3A_319 = arith.select %eq3A_314, %broadcast_in_dim3A_317, %broadcast_in_dim3A_318 : vector<64x64xi1>, vector<64x64xf32>
    %slice3A_320 = vector.extract_strided_slice %scan3A_94#1 {offsets = [0, 28], sizes = [64, 1], strides = [1, 1]} : vector<64x32xi32> to vector<64x1xi32>
    %eq3A_321 = vector.broadcast %slice3A_320 : vector<64x1xi32> to vector<64x64xi32>
    %eq3A_322 = arith.cmpi eq, %iota3A_86, %eq3A_321 : vector<64x64xi32>
    %jit3A_323 = arith.constant 1.000000e+00 : f32
    %jit3A_324 = arith.constant 0.000000e+00 : f32
    %broadcast_in_dim3A_325 = vector.broadcast %jit3A_323 : f32 to vector<64x64xf32>
    %broadcast_in_dim3A_326 = vector.broadcast %jit3A_324 : f32 to vector<64x64xf32>
    %select_n3A_327 = arith.select %eq3A_322, %broadcast_in_dim3A_325, %broadcast_in_dim3A_326 : vector<64x64xi1>, vector<64x64xf32>
    %slice3A_328 = vector.extract_strided_slice %scan3A_94#1 {offsets = [0, 29], sizes = [64, 1], strides = [1, 1]} : vector<64x32xi32> to vector<64x1xi32>
    %eq3A_329 = vector.broadcast %slice3A_328 : vector<64x1xi32> to vector<64x64xi32>
    %eq3A_330 = arith.cmpi eq, %iota3A_86, %eq3A_329 : vector<64x64xi32>
    %jit3A_331 = arith.constant 1.000000e+00 : f32
    %jit3A_332 = arith.constant 0.000000e+00 : f32
    %broadcast_in_dim3A_333 = vector.broadcast %jit3A_331 : f32 to vector<64x64xf32>
    %broadcast_in_dim3A_334 = vector.broadcast %jit3A_332 : f32 to vector<64x64xf32>
    %select_n3A_335 = arith.select %eq3A_330, %broadcast_in_dim3A_333, %broadcast_in_dim3A_334 : vector<64x64xi1>, vector<64x64xf32>
    %slice3A_336 = vector.extract_strided_slice %scan3A_94#1 {offsets = [0, 30], sizes = [64, 1], strides = [1, 1]} : vector<64x32xi32> to vector<64x1xi32>
    %eq3A_337 = vector.broadcast %slice3A_336 : vector<64x1xi32> to vector<64x64xi32>
    %eq3A_338 = arith.cmpi eq, %iota3A_86, %eq3A_337 : vector<64x64xi32>
    %jit3A_339 = arith.constant 1.000000e+00 : f32
    %jit3A_340 = arith.constant 0.000000e+00 : f32
    %broadcast_in_dim3A_341 = vector.broadcast %jit3A_339 : f32 to vector<64x64xf32>
    %broadcast_in_dim3A_342 = vector.broadcast %jit3A_340 : f32 to vector<64x64xf32>
    %select_n3A_343 = arith.select %eq3A_338, %broadcast_in_dim3A_341, %broadcast_in_dim3A_342 : vector<64x64xi1>, vector<64x64xf32>
    %slice3A_344 = vector.extract_strided_slice %scan3A_94#1 {offsets = [0, 31], sizes = [64, 1], strides = [1, 1]} : vector<64x32xi32> to vector<64x1xi32>
    %eq3A_345 = vector.broadcast %slice3A_344 : vector<64x1xi32> to vector<64x64xi32>
    %eq3A_346 = arith.cmpi eq, %iota3A_86, %eq3A_345 : vector<64x64xi32>
    %jit3A_347 = arith.constant 1.000000e+00 : f32
    %jit3A_348 = arith.constant 0.000000e+00 : f32
    %broadcast_in_dim3A_349 = vector.broadcast %jit3A_347 : f32 to vector<64x64xf32>
    %broadcast_in_dim3A_350 = vector.broadcast %jit3A_348 : f32 to vector<64x64xf32>
    %select_n3A_351 = arith.select %eq3A_346, %broadcast_in_dim3A_349, %broadcast_in_dim3A_350 : vector<64x64xi1>, vector<64x64xf32>
    %concatenate3A = tpu.concatenate %select_n3A_103, %select_n3A_111, %select_n3A_119, %select_n3A_127, %select_n3A_135, %select_n3A_143, %select_n3A_151, %select_n3A_159, %select_n3A_167, %select_n3A_175, %select_n3A_183, %select_n3A_191, %select_n3A_199, %select_n3A_207, %select_n3A_215, %select_n3A_223, %select_n3A_231, %select_n3A_239, %select_n3A_247, %select_n3A_255, %select_n3A_263, %select_n3A_271, %select_n3A_279, %select_n3A_287, %select_n3A_295, %select_n3A_303, %select_n3A_311, %select_n3A_319, %select_n3A_327, %select_n3A_335, %select_n3A_343, %select_n3A_351 in 0 : vector<64x64xf32>, vector<64x64xf32>, vector<64x64xf32>, vector<64x64xf32>, vector<64x64xf32>, vector<64x64xf32>, vector<64x64xf32>, vector<64x64xf32>, vector<64x64xf32>, vector<64x64xf32>, vector<64x64xf32>, vector<64x64xf32>, vector<64x64xf32>, vector<64x64xf32>, vector<64x64xf32>, vector<64x64xf32>, vector<64x64xf32>, vector<64x64xf32>, vector<64x64xf32>, vector<64x64xf32>, vector<64x64xf32>, vector<64x64xf32>, vector<64x64xf32>, vector<64x64xf32>, vector<64x64xf32>, vector<64x64xf32>, vector<64x64xf32>, vector<64x64xf32>, vector<64x64xf32>, vector<64x64xf32>, vector<64x64xf32>, vector<64x64xf32> -> vector<2048x64xf32>
    %dot_general3A_352 = arith.constant dense<0.000000e+00> : vector<2048x3xf32>
    %dot_general3A_353 = tpu.matmul %concatenate3A, %dot_general3A_64, %dot_general3A_352 {dimension_numbers = #tpu.dot_dimension_numbers<[1], [0], [0], [1], [0, 0, 1, 1], [], []>, precision = #tpu.contract_precision<fp32>, transpose_lhs_hint = false} : vector<2048x64xf32>, vector<64x3xf32>, vector<2048x3xf32> -> vector<2048x3xf32>
    %dot_general3A_354 = arith.constant dense<0.000000e+00> : vector<2048x32xf32>
    %dot_general3A_355 = tpu.matmul %concatenate3A, %dot_general3A_66, %dot_general3A_354 {dimension_numbers = #tpu.dot_dimension_numbers<[1], [0], [0], [1], [0, 0, 1, 1], [], []>, precision = #tpu.contract_precision<fp32>, transpose_lhs_hint = false} : vector<2048x64xf32>, vector<64x32xf32>, vector<2048x32xf32> -> vector<2048x32xf32>
    %broadcast_in_dim3A_356 = vector.shape_cast %dot_general3A_64 : vector<64x3xf32> to vector<1x64x3xf32>
    %broadcast_in_dim3A_357 = vector.shape_cast %broadcast_in_dim3A_356 : vector<1x64x3xf32> to vector<1x64x3xf32>
    %broadcast_in_dim3A_358 = vector.broadcast %broadcast_in_dim3A_357 : vector<1x64x3xf32> to vector<32x64x3xf32>
    %reshape3A = vector.shape_cast %broadcast_in_dim3A_358 : vector<32x64x3xf32> to vector<2048x3xf32>
    %sub3A_359 = arith.subf %dot_general3A_353, %reshape3A : vector<2048x3xf32>
    %concatenate3A_360 = tpu.concatenate %sub3A_359, %dot_general3A_355 in 1 : vector<2048x3xf32>, vector<2048x32xf32> -> vector<2048x35xf32>
    %get3A_361 = arith.constant 0 : index
    %get3A_362 = arith.constant 0 : index
    %get3A_363 = vector.load %arg9[%get3A_361, %get3A_362] : memref<35x64xf32, #tpu.memory_space<vmem>>, vector<35x64xf32>
    %dot_general3A_364 = arith.constant dense<0.000000e+00> : vector<2048x64xf32>
    %dot_general3A_365 = tpu.matmul %concatenate3A_360, %get3A_363, %dot_general3A_364 {dimension_numbers = #tpu.dot_dimension_numbers<[1], [0], [0], [1], [0, 0, 1, 1], [], []>, transpose_lhs_hint = false} : vector<2048x35xf32>, vector<35x64xf32>, vector<2048x64xf32> -> vector<2048x64xf32>
    %get3A_366 = arith.constant 0 : index
    %get3A_367 = arith.constant 0 : index
    %get3A_368 = vector.load %arg10[%get3A_366, %get3A_367] : memref<1x64xf32, #tpu.memory_space<vmem>>, vector<1x64xf32>
    %add3A_369 = vector.broadcast %get3A_368 : vector<1x64xf32> to vector<2048x64xf32>
    %add3A_370 = arith.addf %dot_general3A_365, %add3A_369 : vector<2048x64xf32>
    %max3A_371 = arith.constant 0.000000e+00 : f32
    %max3A_372 = vector.broadcast %max3A_371 : f32 to vector<2048x64xf32>
    %max3A_373 = arith.maximumf %add3A_370, %max3A_372 : vector<2048x64xf32>
    %get3A_374 = arith.constant 0 : index
    %get3A_375 = arith.constant 0 : index
    %get3A_376 = vector.load %arg11[%get3A_374, %get3A_375] : memref<64x32xf32, #tpu.memory_space<vmem>>, vector<64x32xf32>
    %dot_general3A_377 = arith.constant dense<0.000000e+00> : vector<2048x32xf32>
    %dot_general3A_378 = tpu.matmul %max3A_373, %get3A_376, %dot_general3A_377 {dimension_numbers = #tpu.dot_dimension_numbers<[1], [0], [0], [1], [0, 0, 1, 1], [], []>, transpose_lhs_hint = false} : vector<2048x64xf32>, vector<64x32xf32>, vector<2048x32xf32> -> vector<2048x32xf32>
    %get3A_379 = arith.constant 0 : index
    %get3A_380 = arith.constant 0 : index
    %get3A_381 = vector.load %arg12[%get3A_379, %get3A_380] : memref<1x32xf32, #tpu.memory_space<vmem>>, vector<1x32xf32>
    %add3A_382 = vector.broadcast %get3A_381 : vector<1x32xf32> to vector<2048x32xf32>
    %add3A_383 = arith.addf %dot_general3A_378, %add3A_382 : vector<2048x32xf32>
    %max3A_384 = arith.constant 0.000000e+00 : f32
    %max3A_385 = vector.broadcast %max3A_384 : f32 to vector<2048x32xf32>
    %max3A_386 = arith.maximumf %add3A_383, %max3A_385 : vector<2048x32xf32>
    %reshape3A_387 = vector.shape_cast %max3A_386 : vector<2048x32xf32> to vector<32x64x32xf32>
    %reduce_max3A = arith.constant dense<0xFF800000> : vector<64x32xf32>
    %reduce_max3A_388 = vector.multi_reduction <maximumf>, %reshape3A_387, %reduce_max3A [0] : vector<32x64x32xf32> to vector<64x32xf32>
    %swap3A = arith.constant 0 : index
    %swap3A_389 = arith.constant 0 : index
    %swap3A_390 = arith.constant 0 : index
    %swap3A_391 = vector.load %arg17[%swap3A, %swap3A_389, %swap3A_390] : memref<1x64x32xf32, #tpu.memory_space<vmem>>, vector<1x64x32xf32>
    %swap3A_392 = vector.shape_cast %swap3A_391 : vector<1x64x32xf32> to vector<64x32xf32>
    %swap3A_393 = vector.shape_cast %reduce_max3A_388 : vector<64x32xf32> to vector<1x64x32xf32>
    tpu.vector_store %arg17[%swap3A, %swap3A_389, %swap3A_390], %swap3A_393 {strides = array<i32>} : memref<1x64x32xf32, #tpu.memory_space<vmem>>, vector<1x64x32xf32>,
    %get3A_394 = arith.constant 0 : index
    %get3A_395 = arith.constant 0 : index
    %get3A_396 = vector.load %arg3[%get3A_394, %get3A_395] : memref<3x3xf32, #tpu.memory_space<vmem>>, vector<3x3xf32>
    %dot_general3A_397 = arith.constant dense<0.000000e+00> : vector<64x3xf32>
    %dot_general3A_398 = tpu.matmul %dot_general3A_64, %get3A_396, %dot_general3A_397 {dimension_numbers = #tpu.dot_dimension_numbers<[1], [0], [0], [1], [0, 0, 1, 1], [], []>, transpose_lhs_hint = false} : vector<64x3xf32>, vector<3x3xf32>, vector<64x3xf32> -> vector<64x3xf32>
    %broadcast_in_dim3A_399 = vector.shape_cast %dot_general3A_398 : vector<64x3xf32> to vector<64x1x3xf32>
    %get3A_400 = arith.constant 0 : index
    %get3A_401 = arith.constant 0 : index
    %get3A_402 = vector.load %arg13[%get3A_400, %get3A_401] : memref<216x3xf32, #tpu.memory_space<vmem>>, vector<216x3xf32>
    %broadcast_in_dim3A_403 = vector.shape_cast %get3A_402 : vector<216x3xf32> to vector<1x216x3xf32>
    %add3A_404 = vector.broadcast %broadcast_in_dim3A_399 : vector<64x1x3xf32> to vector<64x216x3xf32>
    %add3A_405 = vector.broadcast %broadcast_in_dim3A_403 : vector<1x216x3xf32> to vector<64x216x3xf32>
    %add3A_406 = arith.addf %add3A_404, %add3A_405 : vector<64x216x3xf32>
    %reshape3A_407 = vector.shape_cast %add3A_406 : vector<64x216x3xf32> to vector<13824x3xf32>
    %swap3A_408 = arith.constant 0 : index
    %swap3A_409 = arith.constant 0 : index
    %swap3A_410 = arith.constant 0 : index
    %swap3A_411 = vector.load %arg14[%swap3A_408, %swap3A_409, %swap3A_410] : memref<1x64x3xf32, #tpu.memory_space<vmem>>, vector<1x64x3xf32>
    %swap3A_412 = vector.shape_cast %swap3A_411 : vector<1x64x3xf32> to vector<64x3xf32>
    %swap3A_413 = vector.shape_cast %dot_general3A_64 : vector<64x3xf32> to vector<1x64x3xf32>
    tpu.vector_store %arg14[%swap3A_408, %swap3A_409, %swap3A_410], %swap3A_413 {strides = array<i32>} : memref<1x64x3xf32, #tpu.memory_space<vmem>>, vector<1x64x3xf32>,
    %swap3A_414 = arith.constant 0 : index
    %swap3A_415 = arith.constant 0 : index
    %swap3A_416 = arith.constant 0 : index
    %swap3A_417 = vector.load %arg15[%swap3A_414, %swap3A_415, %swap3A_416] : memref<1x64x3xf32, #tpu.memory_space<vmem>>, vector<1x64x3xf32>
    %swap3A_418 = vector.shape_cast %swap3A_417 : vector<1x64x3xf32> to vector<64x3xf32>
    %swap3A_419 = vector.shape_cast %dot_general3A_398 : vector<64x3xf32> to vector<1x64x3xf32>
    tpu.vector_store %arg15[%swap3A_414, %swap3A_415, %swap3A_416], %swap3A_419 {strides = array<i32>} : memref<1x64x3xf32, #tpu.memory_space<vmem>>, vector<1x64x3xf32>,
    %iota3A_420 = tpu.iota {dimensions = array<i32: 0>} : vector<3x3xi32>
    %iota3A_421 = tpu.iota {dimensions = array<i32: 1>} : vector<3x3xi32>
    %add3A_422 = arith.constant 0 : i32
    %add3A_423 = vector.broadcast %add3A_422 : i32 to vector<3x3xi32>
    %add3A_424 = arith.addi %iota3A_420, %add3A_423 : vector<3x3xi32>
    %eq3A_425 = arith.cmpi eq, %add3A_424, %iota3A_421 : vector<3x3xi32>
    %convert_element_type3A = arith.extui %eq3A_425 : vector<3x3xi1> to vector<3x3xi32>
    %convert_element_type3A_426 = arith.sitofp %convert_element_type3A : vector<3x3xi32> to vector<3x3xf32>
    %dot_general3A_427 = arith.constant dense<0.000000e+00> : vector<2048x3xf32>
    %dot_general3A_428 = tpu.matmul %get3A_8, %convert_element_type3A_426, %dot_general3A_427 {dimension_numbers = #tpu.dot_dimension_numbers<[0], [0], [1], [1], [0, 1, 1, 1], [], []>, precision = #tpu.contract_precision<fp32>, transpose_lhs_hint = false} : vector<3x2048xf32>, vector<3x3xf32>, vector<2048x3xf32> -> vector<2048x3xf32>
    %broadcast_in_dim3A_429 = arith.constant 0.000000e+00 : f32
    %broadcast_in_dim3A_430 = vector.broadcast %broadcast_in_dim3A_429 : f32 to vector<2048x93xf32>
    %concatenate3A_431 = tpu.concatenate %dot_general3A_428, %max3A_45, %broadcast_in_dim3A_430 in 1 : vector<2048x3xf32>, vector<2048x32xf32>, vector<2048x93xf32> -> vector<2048x128xf32>
    %swap3A_432 = arith.constant 0 : index
    %swap3A_433 = arith.constant 0 : index
    %swap3A_434 = arith.constant 0 : index
    %swap3A_435 = vector.load %arg18[%swap3A_432, %swap3A_433, %swap3A_434] : memref<1x2048x128xf32, #tpu.memory_space<vmem>>, vector<1x2048x128xf32>
    %swap3A_436 = vector.shape_cast %swap3A_435 : vector<1x2048x128xf32> to vector<2048x128xf32>
    %swap3A_437 = vector.shape_cast %concatenate3A_431 : vector<2048x128xf32> to vector<1x2048x128xf32>
    tpu.vector_store %arg18[%swap3A_432, %swap3A_433, %swap3A_434], %swap3A_437 {strides = array<i32>} : memref<1x2048x128xf32, #tpu.memory_space<vmem>>, vector<1x2048x128xf32>,
    %slice3A_438 = vector.extract_strided_slice %get3A_8 {offsets = [0, 0], sizes = [1, 2048], strides = [1, 1]} : vector<3x2048xf32> to vector<1x2048xf32>
    %slice3A_439 = vector.extract_strided_slice %get3A_8 {offsets = [1, 0], sizes = [1, 2048], strides = [1, 1]} : vector<3x2048xf32> to vector<1x2048xf32>
    %slice3A_440 = vector.extract_strided_slice %get3A_8 {offsets = [2, 0], sizes = [1, 2048], strides = [1, 1]} : vector<3x2048xf32> to vector<1x2048xf32>
    %mul3A_441 = arith.mulf %slice3A_438, %slice3A_438 : vector<1x2048xf32>
    %mul3A_442 = arith.mulf %slice3A_439, %slice3A_439 : vector<1x2048xf32>
    %add3A_443 = arith.addf %mul3A_441, %mul3A_442 : vector<1x2048xf32>
    %mul3A_444 = arith.mulf %slice3A_440, %slice3A_440 : vector<1x2048xf32>
    %add3A_445 = arith.addf %add3A_443, %mul3A_444 : vector<1x2048xf32>
    %add3A_446 = arith.addf %get3A_8, %get3A_8 : vector<3x2048xf32>
    %iota3A_447 = tpu.iota {dimensions = array<i32: 1>} : vector<1x2048xi32>
    %convert_element_type3A_448 = arith.sitofp %iota3A_447 : vector<1x2048xi32> to vector<1x2048xf32>
    %swap3A_449 = arith.constant 0 : index
    %swap3A_450 = arith.constant 0 : index
    %swap3A_451 = vector.load %arg19[%swap3A_449, %swap3A_450] : memref<13824x3xf32, #tpu.memory_space<vmem>>, vector<13824x3xf32>
    tpu.vector_store %arg19[%swap3A_449, %swap3A_450], %reshape3A_407 {strides = array<i32>} : memref<13824x3xf32, #tpu.memory_space<vmem>>, vector<13824x3xf32>,
    %scan3A_452 = arith.constant 0 : i32
    %scan3A_453 = arith.constant 18 : i32
    %scan3A_454 = arith.addi %scan3A_452, %scan3A_453 : i32
    %scan3A_455 = arith.constant 1 : i32
    scf.for %scan3A_457 = %scan3A_452 to %scan3A_454 step %scan3A_455  : i32 {
      %mul3A_458 = arith.constant 768 : i32
      %mul3A_459 = arith.muli %scan3A_457, %mul3A_458 : i32
      %multiple_of3A = tpu.assume_multiple %mul3A_459, 768 : i32
      %get3A_460 = arith.index_cast %multiple_of3A : i32 to index
      %get3A_461 = arith.constant 0 : index
      %get3A_462 = vector.load %arg19[%get3A_460, %get3A_461] : memref<13824x3xf32, #tpu.memory_space<vmem>>, vector<768x3xf32>
      %slice3A_463 = vector.extract_strided_slice %get3A_462 {offsets = [0, 0], sizes = [768, 1], strides = [1, 1]} : vector<768x3xf32> to vector<768x1xf32>
      %slice3A_464 = vector.extract_strided_slice %get3A_462 {offsets = [0, 0], sizes = [768, 1], strides = [1, 1]} : vector<768x3xf32> to vector<768x1xf32>
      %mul3A_465 = arith.mulf %slice3A_463, %slice3A_464 : vector<768x1xf32>
      %slice3A_466 = vector.extract_strided_slice %get3A_462 {offsets = [0, 1], sizes = [768, 1], strides = [1, 1]} : vector<768x3xf32> to vector<768x1xf32>
      %slice3A_467 = vector.extract_strided_slice %get3A_462 {offsets = [0, 1], sizes = [768, 1], strides = [1, 1]} : vector<768x3xf32> to vector<768x1xf32>
      %mul3A_468 = arith.mulf %slice3A_466, %slice3A_467 : vector<768x1xf32>
      %add3A_469 = arith.addf %mul3A_465, %mul3A_468 : vector<768x1xf32>
      %slice3A_470 = vector.extract_strided_slice %get3A_462 {offsets = [0, 2], sizes = [768, 1], strides = [1, 1]} : vector<768x3xf32> to vector<768x1xf32>
      %slice3A_471 = vector.extract_strided_slice %get3A_462 {offsets = [0, 2], sizes = [768, 1], strides = [1, 1]} : vector<768x3xf32> to vector<768x1xf32>
      %mul3A_472 = arith.mulf %slice3A_470, %slice3A_471 : vector<768x1xf32>
      %add3A_473 = arith.addf %add3A_469, %mul3A_472 : vector<768x1xf32>
      %dot_general3A_474 = arith.constant dense<0.000000e+00> : vector<768x2048xf32>
      %dot_general3A_475 = tpu.matmul %get3A_462, %add3A_446, %dot_general3A_474 {dimension_numbers = #tpu.dot_dimension_numbers<[1], [0], [0], [1], [0, 0, 1, 1], [], []>, transpose_lhs_hint = false} : vector<768x3xf32>, vector<3x2048xf32>, vector<768x2048xf32> -> vector<768x2048xf32>
      %add3A_476 = vector.broadcast %add3A_473 : vector<768x1xf32> to vector<768x2048xf32>
      %add3A_477 = vector.broadcast %add3A_445 : vector<1x2048xf32> to vector<768x2048xf32>
      %add3A_478 = arith.addf %add3A_476, %add3A_477 : vector<768x2048xf32>
      %sub3A_479 = arith.subf %add3A_478, %dot_general3A_475 : vector<768x2048xf32>
      %reduce_min3A = arith.constant dense<0x7F800000> : vector<768xf32>
      %reduce_min3A_480 = vector.multi_reduction <minimumf>, %sub3A_479, %reduce_min3A [1] : vector<768x2048xf32> to vector<768xf32>
      %broadcast_in_dim3A_481 = vector.shape_cast %reduce_min3A_480 : vector<768xf32> to vector<768x1xf32>
      %eq3A_482 = vector.broadcast %broadcast_in_dim3A_481 : vector<768x1xf32> to vector<768x2048xf32>
      %eq3A_483 = arith.cmpf oeq, %sub3A_479, %eq3A_482 : vector<768x2048xf32>
      %jit3A_484 = arith.constant 2.048000e+03 : f32
      %broadcast_in_dim3A_485 = vector.shape_cast %convert_element_type3A_448 : vector<1x2048xf32> to vector<1x2048xf32>
      %broadcast_in_dim3A_486 = vector.broadcast %broadcast_in_dim3A_485 : vector<1x2048xf32> to vector<768x2048xf32>
      %broadcast_in_dim3A_487 = vector.broadcast %jit3A_484 : f32 to vector<768x2048xf32>
      %select_n3A_488 = arith.select %eq3A_483, %broadcast_in_dim3A_486, %broadcast_in_dim3A_487 : vector<768x2048xi1>, vector<768x2048xf32>
      %reduce_min3A_489 = arith.constant dense<0x7F800000> : vector<768xf32>
      %reduce_min3A_490 = vector.multi_reduction <minimumf>, %select_n3A_488, %reduce_min3A_489 [1] : vector<768x2048xf32> to vector<768xf32>
      %broadcast_in_dim3A_491 = vector.shape_cast %reduce_min3A_490 : vector<768xf32> to vector<768x1xf32>
      %convert_element_type3A_492 = arith.fptosi %broadcast_in_dim3A_491 : vector<768x1xf32> to vector<768x1xi32>
      %swap3A_493 = arith.constant 0 : index
      %swap3A_494 = arith.index_cast %multiple_of3A : i32 to index
      %swap3A_495 = arith.constant 0 : index
      %swap3A_496 = vector.load %arg16[%swap3A_493, %swap3A_494, %swap3A_495] : memref<1x13824x1xi32, #tpu.memory_space<vmem>>, vector<1x768x1xi32>
      %swap3A_497 = vector.shape_cast %swap3A_496 : vector<1x768x1xi32> to vector<768x1xi32>
      %swap3A_498 = vector.shape_cast %convert_element_type3A_492 : vector<768x1xi32> to vector<1x768x1xi32>
      tpu.vector_store %arg16[%swap3A_493, %swap3A_494, %swap3A_495], %swap3A_498 {strides = array<i32>} : memref<1x13824x1xi32, #tpu.memory_space<vmem>>, vector<1x768x1xi32>,
    }
    %scan3A_456 = arith.constant 18 : i32
    return
  }
  func.func @transform_0(%arg0: i32) -> (i32, i32, i32) {
    %c0_i32 = arith.constant 0 : i32
    %c0_i32_0 = arith.constant 0 : i32
    %c0_i32_1 = arith.constant 0 : i32
    return %arg0, %c0_i32, %c0_i32_0 : i32, i32, i32
  }
  func.func @transform_1(%arg0: i32) -> (i32, i32, i32) {
    %c0_i32 = arith.constant 0 : i32
    %c0_i32_0 = arith.constant 0 : i32
    %c0_i32_1 = arith.constant 0 : i32
    return %arg0, %c0_i32, %c0_i32_0 : i32, i32, i32
  }
  func.func @transform_2(%arg0: i32) -> (i32, i32) {
    %c0_i32 = arith.constant 0 : i32
    %c0_i32_0 = arith.constant 0 : i32
    %c0_i32_1 = arith.constant 0 : i32
    return %c0_i32, %c0_i32_0 : i32, i32
  }
  func.func @transform_3(%arg0: i32) -> (i32, i32) {
    %c0_i32 = arith.constant 0 : i32
    %c0_i32_0 = arith.constant 0 : i32
    %c0_i32_1 = arith.constant 0 : i32
    return %c0_i32, %c0_i32_0 : i32, i32
  }
  func.func @transform_4(%arg0: i32) -> (i32, i32) {
    %c0_i32 = arith.constant 0 : i32
    %c0_i32_0 = arith.constant 0 : i32
    %c0_i32_1 = arith.constant 0 : i32
    return %c0_i32, %c0_i32_0 : i32, i32
  }
  func.func @transform_5(%arg0: i32) -> (i32, i32) {
    %c0_i32 = arith.constant 0 : i32
    %c0_i32_0 = arith.constant 0 : i32
    %c0_i32_1 = arith.constant 0 : i32
    return %c0_i32, %c0_i32_0 : i32, i32
  }
  func.func @transform_6(%arg0: i32) -> (i32, i32) {
    %c0_i32 = arith.constant 0 : i32
    %c0_i32_0 = arith.constant 0 : i32
    %c0_i32_1 = arith.constant 0 : i32
    return %c0_i32, %c0_i32_0 : i32, i32
  }
  func.func @transform_7(%arg0: i32) -> (i32, i32) {
    %c0_i32 = arith.constant 0 : i32
    %c0_i32_0 = arith.constant 0 : i32
    %c0_i32_1 = arith.constant 0 : i32
    return %c0_i32, %c0_i32_0 : i32, i32
  }
  func.func @transform_8(%arg0: i32) -> (i32, i32) {
    %c0_i32 = arith.constant 0 : i32
    %c0_i32_0 = arith.constant 0 : i32
    %c0_i32_1 = arith.constant 0 : i32
    return %c0_i32, %c0_i32_0 : i32, i32
  }
  func.func @transform_9(%arg0: i32) -> (i32, i32) {
    %c0_i32 = arith.constant 0 : i32
    %c0_i32_0 = arith.constant 0 : i32
    %c0_i32_1 = arith.constant 0 : i32
    return %c0_i32, %c0_i32_0 : i32, i32
  }
  func.func @transform_10(%arg0: i32) -> (i32, i32) {
    %c0_i32 = arith.constant 0 : i32
    %c0_i32_0 = arith.constant 0 : i32
    %c0_i32_1 = arith.constant 0 : i32
    return %c0_i32, %c0_i32_0 : i32, i32
  }
  func.func @transform_11(%arg0: i32) -> (i32, i32) {
    %c0_i32 = arith.constant 0 : i32
    %c0_i32_0 = arith.constant 0 : i32
    %c0_i32_1 = arith.constant 0 : i32
    return %c0_i32, %c0_i32_0 : i32, i32
  }
  func.func @transform_12(%arg0: i32) -> (i32, i32) {
    %c0_i32 = arith.constant 0 : i32
    %c0_i32_0 = arith.constant 0 : i32
    %c0_i32_1 = arith.constant 0 : i32
    return %c0_i32, %c0_i32_0 : i32, i32
  }
  func.func @transform_13(%arg0: i32) -> (i32, i32, i32) {
    %c0_i32 = arith.constant 0 : i32
    %c0_i32_0 = arith.constant 0 : i32
    %c0_i32_1 = arith.constant 0 : i32
    return %arg0, %c0_i32, %c0_i32_0 : i32, i32, i32
  }
  func.func @transform_14(%arg0: i32) -> (i32, i32, i32) {
    %c0_i32 = arith.constant 0 : i32
    %c0_i32_0 = arith.constant 0 : i32
    %c0_i32_1 = arith.constant 0 : i32
    return %arg0, %c0_i32, %c0_i32_0 : i32, i32, i32
  }
  func.func @transform_15(%arg0: i32) -> (i32, i32, i32) {
    %c0_i32 = arith.constant 0 : i32
    %c0_i32_0 = arith.constant 0 : i32
    %c0_i32_1 = arith.constant 0 : i32
    return %arg0, %c0_i32, %c0_i32_0 : i32, i32, i32
  }
  func.func @transform_16(%arg0: i32) -> (i32, i32, i32) {
    %c0_i32 = arith.constant 0 : i32
    %c0_i32_0 = arith.constant 0 : i32
    %c0_i32_1 = arith.constant 0 : i32
    return %arg0, %c0_i32, %c0_i32_0 : i32, i32, i32
  }
  func.func @transform_17(%arg0: i32) -> (i32, i32, i32) {
    %c0_i32 = arith.constant 0 : i32
    %c0_i32_0 = arith.constant 0 : i32
    %c0_i32_1 = arith.constant 0 : i32
    return %arg0, %c0_i32, %c0_i32_0 : i32, i32, i32
  }
}

</mosaic_0001>

<sc_bundles>
// kernel: kernel.11.cloned.1.call-start
scs
__scs_entry_jumppad:
0x0: {  	(pc) =	sbr.rel $0x88, $3  }
0x1: {  	(tag) =	ssettag $0x0;
	lr =	simm.s32 $0x1  }
0x2: {  	[smem:$0x3F91] =	sst lr;
	_ =	strace $0xD0000000  }
0x3: {  	_ = 	snop  }
0x4: {  	_ = 	snop  }
0x5: {  	_ = 	snop  }
0x6: {  	_ = 	snop  }
0x7: {  	_ = 	snop  }
__scs_overlays_trampoline_lowered:
0x8: {  	[smem:$0x3FA0] =	sst s0  }
0x9: {  	[smem:$0x3FA1] =	sst s1  }
0xa: {  	[smem:$0x3FA2] =	sst s2  }
0xb: {  	[smem:$0x3FA3] =	sst s3  }
0xc: {  	[smem:$0x3FA4] =	sst s4  }
0xd: {  	[smem:$0x3FA5] =	sst s5  }
0xe: {  	[smem:$0x3FA6] =	sst s6  }
0xf: {  	[smem:$0x3FA7] =	sst s7  }
0x10: {  	[smem:$0x3FA8] =	sst s8  }
0x11: {  	[smem:$0x3FA9] =	sst s9;
	s0 =	simm.s32 @!p0 $0x0  }
0x12: {  	s1 =	sld [smem:$0x3F8F];
	s0 =	simm.s32 @p0 $0x1  }
0x13: {  	[smem:$0x3FAA] =	sst s0;
	s0 =	simm.s32 @!p1 $0x0  }
0x14: {  	s2 =	sld [smem:$0x3F8E];
	s0 =	simm.s32 @p1 $0x1  }
0x15: {  	[smem:$0x3FAB] =	sst s0;
	s0 =	simm.s32 @!p2 $0x0  }
0x16: {  	s3 =	sld [smem:$0x3FDB];
	s0 =	simm.s32 @p2 $0x1  }
0x17: {  	s4 =	simm.s32 $0x1BF5;
	[smem:$0x3FAD] =	sst s0  }
0x18: {  	s0 =	sld [smem:$0x3F90];
	_ =	swait.ge [sflag:s4], $0x0  }
0x19: {  	s7 =	sld [smem:$0x3F91]  }
0x1a: {  	s8 =	sadd.s32 $0xFFFFE003, lr  }
0x1b: {  	s9 =	sadd.s32 $0xFFFFFEF7, lr;
	s5 =	simm.s32 $0xFFFFFFFF;
	p2 =	slt.u32 s8, $0xFFFFF086  }
0x1c: {  	p1 =	slt.u32 s9, $0xF7A;
	s5 =	simm.s32 @!p2 $0x0  }
0x1d: {  	s5 =	simm.s32 @p1 $0x1;
	p0 =	seq.s32 s7, s2  }
0x1e: {  	s7 =	smul.u32 @!p0 $0xF7A, s2;
	p2 =	seq.s32 @!p0 s5, $0x0  }
0x1f: {  	s9 =	smul.u32 $0xF7A, s1;
	s8 =	simm.s32 @!p0 $0x1BF5;
	p2 =	por !p2, p0  }
0x20: {  	[sflag:s8] =	ssyncset.s32 @!p0 $0xFFFFF086;
	s6 =	sadd.s32 @!p0 s3, s7;
	s7 =	simm.s32 @!p0 $0x108  }
0x21: {  	s3 =	sadd.s32 s3, s9;
	s6 =	sadd.s32 @!p0 $0x88, s6;
	s7 =	simm.s32 @p2 $0x1082  }
0x22: {  	[simem:s7], [sflag:s8] =	dma.local @!p0 [hbm:s6], $0xF7A  }
0x23: {  	s9 =	sor.u32 $0xD0000000, s2;
	s6 =	simm.s32 $0x108;
	_ =	swait.ge @!p0 [sflag:s8], $0x0  }
0x24: {  	s3 =	sadd.s32 $0x88, s3;
	s6 =	simm.s32 @!p1 $0x1082;
	[sflag:s4] =	ssyncset.s32 $0xFFFFF086  }
0x25: {  	[simem:s6], [sflag:s4] =	dma.local [hbm:s3], $0xF7A  }
0x26: {  	[smem:$0x3F91] =	sst s1;
	(tag) =	ssettag s2;
	_ =	strace s9  }
0x27: {  	s1 =	sld [smem:$0x3FA1]  }
0x28: {  	s2 =	sld [smem:$0x3FA2]  }
0x29: {  	s4 =	sld [smem:$0x3FA4]  }
0x2a: {  	p0 =	seq.s32 s5, $0x0;
	s5 =	sld [smem:$0x3FA5]  }
0x2b: {  	s6 =	sld [smem:$0x3FA6]  }
0x2c: {  	s7 =	sld [smem:$0x3FA7]  }
0x2d: {  	s3 =	simm.s32 $0x108;
	s8 =	sld [smem:$0x3FA8]  }
0x2e: {  	s3 =	simm.s32 @!p0 $0x1082;
	s9 =	sld [smem:$0x3FA9]  }
0x2f: {  	lr =	sadd.s32 s0, s3;
	s0 =	sld [smem:$0x3FA0]  }
0x30: {  	s3 =	sld [smem:$0x3FA3]  }
0x31: {  	[smem:$0x3FAC] =	sst s10  }
0x32: {  	s10 =	sld [smem:$0x3FAA];
	_ =	sdelay $0x3  }
0x33: {  	p0 =	seq.s32 s10, $0x1;
	s10 =	sld [smem:$0x3FAC];
	_ =	sdelay $0x3  }
0x34: {  	[smem:$0x3FAC] =	sst s10  }
0x35: {  	s10 =	sld [smem:$0x3FAB];
	_ =	sdelay $0x3  }
0x36: {  	p1 =	seq.s32 s10, $0x1;
	s10 =	sld [smem:$0x3FAC];
	_ =	sdelay $0x3  }
0x37: {  	[smem:$0x3FAC] =	sst s10  }
0x38: {  	s10 =	sld [smem:$0x3FAD]  }
0x39: {  	_ = 	snop;
	(pc) =	sbr.ind lr, $3  }
0x3a: {  	_ = 	snop  }
0x3b: {  	_ = 	snop  }
0x3c: {  	p2 =	seq.s32 s10, $0x1;
	s10 =	sld [smem:$0x3FAC]  }
0x3d: {  	_ =	shalt  }
0x3e: {  	_ =	shalt  }
0x3f: {  	_ =	shalt  }
0x40: {  	_ =	shalt  }
0x41: {  	_ =	shalt  }
0x42: {  	_ =	shalt  }
0x43: {  	_ =	shalt  }
0x44: {  	_ =	shalt  }
0x45: {  	_ =	shalt  }
0x46: {  	_ =	shalt  }
0x47: {  	_ =	shalt  }
0x48: {  	_ =	shalt  }
0x49: {  	_ =	shalt  }
0x4a: {  	_ =	shalt  }
0x4b: {  	_ =	shalt  }
0x4c: {  	_ =	shalt  }
0x4d: {  	_ =	shalt  }
0x4e: {  	_ =	shalt  }
0x4f: {  	_ =	shalt  }
0x50: {  	_ =	shalt  }
0x51: {  	_ =	shalt  }
0x52: {  	_ =	shalt  }
0x53: {  	_ =	shalt  }
0x54: {  	_ =	shalt  }
0x55: {  	_ =	shalt  }
0x56: {  	_ =	shalt  }
0x57: {  	_ =	shalt  }
0x58: {  	_ =	shalt  }
0x59: {  	_ =	shalt  }
0x5a: {  	_ =	shalt  }
0x5b: {  	_ =	shalt  }
0x5c: {  	_ =	shalt  }
0x5d: {  	_ =	shalt  }
0x5e: {  	_ =	shalt  }
0x5f: {  	_ =	shalt  }
0x60: {  	_ =	shalt  }
0x61: {  	_ =	shalt  }
0x62: {  	_ =	shalt  }
0x63: {  	_ =	shalt  }
0x64: {  	_ =	shalt  }
0x65: {  	_ =	shalt  }
0x66: {  	_ =	shalt  }
0x67: {  	_ =	shalt  }
0x68: {  	_ =	shalt  }
0x69: {  	_ =	shalt  }
0x6a: {  	_ =	shalt  }
0x6b: {  	_ =	shalt  }
0x6c: {  	_ =	shalt  }
0x6d: {  	_ =	shalt  }
0x6e: {  	_ =	shalt  }
0x6f: {  	_ =	shalt  }
0x70: {  	_ =	shalt  }
0x71: {  	_ =	shalt  }
0x72: {  	_ =	shalt  }
0x73: {  	_ =	shalt  }
0x74: {  	_ =	shalt  }
0x75: {  	_ =	shalt  }
0x76: {  	_ =	shalt  }
0x77: {  	_ =	shalt  }
0x78: {  	_ =	shalt  }
0x79: {  	_ =	shalt  }
0x7a: {  	_ =	shalt  }
0x7b: {  	_ =	shalt  }
0x7c: {  	_ =	shalt  }
0x7d: {  	_ =	shalt  }
0x7e: {  	_ =	shalt  }
0x7f: {  	_ =	shalt  }
0x80: {  	_ =	shalt  }
0x81: {  	_ =	shalt  }
0x82: {  	_ =	shalt  }
0x83: {  	_ =	shalt  }
0x84: {  	_ =	shalt  }
0x85: {  	_ =	shalt  }
0x86: {  	_ =	shalt  }
0x87: {  	_ =	shalt  }
.Lfunc_end0:
.L_simem_size_0:
called_computation.1_lowered:
.L_overlay_start_0:
0x88: {  	s2 =	sld [smem:$0x3FD9]  }
0x89: {  	s3 =	sld [smem:$0x3FFE];
	_ =	sdelay $0x1  }
0x8a: {  	s1 =	srdreg.scid  }
0x8b: {  	s0 =	sand.u32 $0x1, s1  }
0x8c: {  	s17 =	sshll.u32 s0, $0xA;
	s2 =	sadd.s32 s3, s2  }
0x8d: {  	s2 =	sadd.s32 s2, s17  }
0x8e: {  	[smem:$0x3FB8] =	sst s2  }
0x8f: {  	_ = 	snop  }
0x90: {  	(tm) =	ssettm $0x1  }
0x91: {  	s18 =	sld [smem:$0x3FFB];
	_ =	sdelay $0x3  }
0x92: {  	_ =	strace s18  }
0x93: {  	s2 =	sld [smem:$0x3FFC];
	_ =	sdelay $0x3  }
0x94: {  	_ =	strace s2  }
0x95: {  	s2 =	sld [smem:$0x3FFD];
	_ =	sdelay $0x3  }
0x96: {  	_ =	strace s2  }
0x97: {  	_ =	strace $0x8FFFFFFF  }
0x98: {  	s19 =	sld [smem:$0x3FDB];
	_ =	sdelay $0x1  }
0x99: {  	s20 =	simm.s32 $_scs_section_size  }
0x9a: {  	s4 =	simm.s32 $_size__tile_overlayer_lowered;
	s5 =	simm.s32 $_tile_overlayer_lowered  }
0x9b: {  	s6 =	simm.s32 $0x1BFF;
	s21 =	sshll.u32 s5, $0x1;
	s3 =	sadd.s32 s20, s19  }
0x9c: {  	s22 =	simm.s32 $0x0;
	s4 =	sshll.u32 s4, $0x1;
	s5 =	sadd.s32 s21, s3  }
0x9d: {  	[timem:s22], [sflag:s6] =	dma.local [hbm:s5], s4  }
0x9e: {  	_ =	swait.ge [sflag:s6], s4  }
0x9f: {  	s4 =	ssub.s32 $0x0, s4;
	[sflag:s6] =	ssyncset.done $0x0  }
0xa0: {  	[sflag:s6] =	ssyncadd.s32 s4;
	_ =	sdelay $0x1  }
0xa1: {  	s23 =	simm.s32 $0x1B8B  }
0xa2: {  	_ =	swait.ge [sflag:s23], $0x1  }
0xa3: {  	[sflag:s23] =	ssyncset.done $0x0  }
0xa4: {  	[sflag:s23] =	ssyncadd.s32 $0xFFFFFFFF  }
0xa5: {  	s4 =	sld [smem:$0x0]  }
0xa6: {  	s5 =	sand.u32 $0xFFFFFFFE, s1  }
0xa7: {  	p0 =	sne.s32 s1, s5  }
0xa8: {  	s5 =	sshll.u32 @p0 s5, $0xE  }
0xa9: {  	s5 =	sadd.s32 @p0 $0x11B8D, s5;
	s6 =	sshll.u32 @p0 s4, $0x11  }
0xaa: {  	s5 =	sor.u32 @p0 s6, s5  }
0xab: {  	[sflag:s5] =	ssyncadd.remote.s32 @p0 $0x1;
	_ =	sdelay $0x1  }
0xac: {  	s5 =	simm.s32 @p0 $0x1B8D  }
0xad: {  	_ =	swait.eq @p0 [sflag:s5], $0x1  }
0xae: {  	[sflag:s5] =	ssyncadd.s32 @p0 $0xFFFFFFFF  }
0xaf: {  	s6 =	sshll.u32 @!p0 s1, $0xE  }
0xb0: {  	s6 =	sor.u32 @!p0 $0x4000, s6;
	s5 =	simm.s32 @!p0 $0x1B8D  }
0xb1: {  	s4 =	sshll.u32 @!p0 s4, $0x11;
	s6 =	sadd.s32 @!p0 $0x11B8D, s6;
	_ =	swait.eq @!p0 [sflag:s5], $0x1  }
0xb2: {  	s4 =	sor.u32 @!p0 s4, s6;
	[sflag:s5] =	ssyncadd.s32 @!p0 $0xFFFFFFFF  }
0xb3: {  	s25 =	simm.s32 $0x1B8E;
	s24 =	sld [smem:$0x3FFE];
	[sflag:s4] =	ssyncadd.remote.s32 @!p0 $0x1  }
0xb4: {  	s26 =	simm.s32 $execute0_lowered;
	[smem:$0x3FD2] =	sst s25  }
0xb5: {  	s5 =	sshll.u32 s26, $0x1;
	_ =	strace $0x80000049;
	[dreg:$0x1] =	wrdreg $0xFFFFFFFF  }
0xb6: {  	s28 =	simm.s32 $_size_execute0_lowered;
	s3 =	sadd.s32 s3, s5;
	[dreg:$0x0] =	wrdreg $0x0  }
0xb7: {  	s5 =	sshll.u32 s28, $0x1;
	[dreg:$0x2] =	wrdreg s3  }
0xb8: {  	[dreg:$0x3] =	wrdreg s5  }
0xb9: {  	[dreg:$0x4] =	wrdreg $0xC0  }
0xba: {  	_ =	task [dreg:s22], $0x5FFFF  }
0xbb: {  	[dreg:$0x1] =	wrdreg $0xFFFFFFFF  }
0xbc: {  	[dreg:$0x0] =	wrdreg $0x60  }
0xbd: {  	[dreg:$0x2] =	wrdreg s24  }
0xbe: {  	[dreg:$0x3] =	wrdreg $0xA  }
0xbf: {  	_ =	task.clear_ibuf [dreg:s22], $0x4FFFF;
	_ =	strace $0x90000049  }
0xc0: {  	s29 =	simm.s32 $0xA;
	_ =	strace $0x8000004B  }
0xc1: {  	_ =	swait.ge [sflag:s29], $0x1  }
0xc2: {  	[sflag:s29] =	ssyncadd.s32 $0xFFFFFFFF  }
0xc3: {  	_ =	strace $0x9000004B  }
0xc4: {  	_ =	sfence  }
0xc5: {  	s30 =	sld [smem:$0x0];
	_ =	sdelay $0x2  }
0xc6: {  	s31 =	sshll.u32 s1, $0xD;
	s1 =	sshrl.u32 s1, $0x2  }
0xc7: {  	s4 =	sand.u32 $0x4000, s31;
	s1 =	sadd.s32 s1, s30  }
0xc8: {  	s0 =	sor.u32 s4, s0;
	s1 =	sshll.u32 s1, $0x11  }
0xc9: {  	s0 =	sor.u32 s1, s0  }
0xca: {  	s0 =	sadd.s32 $0x8F2B, s0  }
0xcb: {  	[sflag:s0] =	ssyncadd.remote.s32 $0x1  }
0xcc: {  	_ =	sfence.sel $0xFFFF  }
0xcd: {  	[dreg:$0x0] =	wrdreg $0xFFFFFFFF;
	(pc) =	sbr.abs _section_cstart, $3  }
0xce: {  	[dreg:$0x1] =	wrdreg $0xFFFFFFFF  }
0xcf: {  	_ =	task.clear_ibuf [dreg:s22], $0x2FFFF;
	_ =	strace $0x9FFFFFFF  }
0xd0: {  	(tm) =	ssettm $0x7FFFFFFF  }
0xd1: {  	_ =	shalt  }
tec
execute0_lowered:
.L_overlay_start_1:
0x0: {  	(tag) =	ssettag $0x1  }
0x1: {  	s1 =	srdreg.scid;
	s0 =	stileid.u32  }
0x2: {  	s26 =	sand.u32 $0x1, s1;
	s31 =	sshll.u32 s0, $0x1  }
0x3: {  	s28 =	sor.u32 s26, s31  }
0x4: {  	s25 =	rddreg [dreg:$0x0];
	s3 =	smul.u32 $0x90, s28  }
0x5: {  	s2 =	simm.s32 $0x0;
	s1 =	rddreg [dreg:$0x1]  }
0x6: {  	[smem:$0x7FF] =	sst s2;
	s3 =	sadd.s32 s3, s25  }
0x7: {  	_ =	strace $0x8000004A;
	s4 =	sadd.s32 $0x4A400, s3;
	s3 =	simm.s32 $0x2  }
0x8: {  	[tilespmem:s2], [sflag:$0x2] =	stream.linear.gather [hbm4b:s4+s2], $0x480, $0x38;
	[tilespmem:$0xDC80] =	vst v63  }
0x9: {  	_ =	swait.ge [sflag:s3], $0x480  }
0xa: {  	s6 =	simm.s32 $0x30;
	[sflag:s3] =	ssyncset.done $0x0  }
0xb: {  	s7 =	simm.s32 $0x480;
	s5 =	sadd.s32 $0x42400, s25;
	[sflag:s3] =	ssyncadd.s32 $0xFFFFFB80  }
0xc: {  	[tilespmem:s7], [sflag:$0x1] =	stream.indirect.gather [hbm4b:s5+s6], $0x80, s2, s6, $0xb8;
	[tilespmem:$0xDC80] =	vst v63  }
0xd: {  	s8 =	simm.s32 $0x80;
	s9 =	simm.s32 $0x1C80  }
0xe: {  	[tilespmem:s9], [sflag:$0x1] =	stream.indirect.gather [hbm4b:s5+s6], $0x80, s8, s6, $0xb8;
	[tilespmem:$0xDC80] =	vst v63  }
0xf: {  	s10 =	simm.s32 $0x100;
	s11 =	simm.s32 $0x3480  }
0x10: {  	[tilespmem:s11], [sflag:$0x1] =	stream.indirect.gather [hbm4b:s5+s6], $0x80, s10, s6, $0xb8;
	[tilespmem:$0xDC80] =	vst v63  }
0x11: {  	s12 =	simm.s32 $0x180;
	s13 =	simm.s32 $0x4C80  }
0x12: {  	[tilespmem:s13], [sflag:$0x1] =	stream.indirect.gather [hbm4b:s5+s6], $0x80, s12, s6, $0xb8;
	[tilespmem:$0xDC80] =	vst v63  }
0x13: {  	s14 =	simm.s32 $0x200;
	s15 =	simm.s32 $0x6480  }
0x14: {  	[tilespmem:s15], [sflag:$0x1] =	stream.indirect.gather [hbm4b:s5+s6], $0x80, s14, s6, $0xb8;
	[tilespmem:$0xDC80] =	vst v63  }
0x15: {  	s16 =	simm.s32 $0x280;
	s17 =	simm.s32 $0x7C80  }
0x16: {  	[tilespmem:s17], [sflag:$0x1] =	stream.indirect.gather [hbm4b:s5+s6], $0x80, s16, s6, $0xb8;
	[tilespmem:$0xDC80] =	vst v63  }
0x17: {  	s18 =	simm.s32 $0x300;
	s19 =	simm.s32 $0x9480  }
0x18: {  	[tilespmem:s19], [sflag:$0x1] =	stream.indirect.gather [hbm4b:s5+s6], $0x80, s18, s6, $0xb8;
	[tilespmem:$0xDC80] =	vst v63  }
0x19: {  	s20 =	simm.s32 $0x380;
	s21 =	simm.s32 $0xAC80  }
0x1a: {  	[tilespmem:s21], [sflag:$0x1] =	stream.indirect.gather [hbm4b:s5+s6], $0x80, s20, s6, $0xb8;
	[tilespmem:$0xDC80] =	vst v63  }
0x1b: {  	s22 =	simm.s32 $0x400;
	s23 =	simm.s32 $0xC480;
	s24 =	simm.s32 $0x1  }
0x1c: {  	[tilespmem:s23], [sflag:$0x1] =	stream.indirect.gather [hbm4b:s5+s6], $0x80, s22, s6, $0xb8;
	[tilespmem:$0xDC80] =	vst v63  }
0x1d: {  	_ =	swait.ge [sflag:s24], $0x1800  }
0x1e: {  	[sflag:s24] =	ssyncset.done $0x0  }
0x1f: {  	[sflag:s24] =	ssyncadd.s32 $0xFFFFE800  }
0x20: {  	_ =	swait.ge [sflag:s24], $0x1800  }
0x21: {  	[sflag:s24] =	ssyncset.done $0x0  }
0x22: {  	[sflag:s24] =	ssyncadd.s32 $0xFFFFE800  }
0x23: {  	_ =	swait.ge [sflag:s24], $0x1800  }
0x24: {  	[sflag:s24] =	ssyncset.done $0x0  }
0x25: {  	[sflag:s24] =	ssyncadd.s32 $0xFFFFE800  }
0x26: {  	_ =	swait.ge [sflag:s24], $0x1800  }
0x27: {  	[sflag:s24] =	ssyncset.done $0x0  }
0x28: {  	[sflag:s24] =	ssyncadd.s32 $0xFFFFE800  }
0x29: {  	_ =	swait.ge [sflag:s24], $0x1800  }
0x2a: {  	[sflag:s24] =	ssyncset.done $0x0  }
0x2b: {  	[sflag:s24] =	ssyncadd.s32 $0xFFFFE800  }
0x2c: {  	_ =	swait.ge [sflag:s24], $0x1800  }
0x2d: {  	[sflag:s24] =	ssyncset.done $0x0  }
0x2e: {  	[sflag:s24] =	ssyncadd.s32 $0xFFFFE800  }
0x2f: {  	_ =	swait.ge [sflag:s24], $0x1800  }
0x30: {  	[sflag:s24] =	ssyncset.done $0x0  }
0x31: {  	s26 =	ssub.s32 $0x2, s26;
	[sflag:s24] =	ssyncadd.s32 $0xFFFFE800  }
0x32: {  	s29 =	sshrl.u32 s26, $0x1;
	_ =	swait.ge [sflag:s24], $0x1800  }
0x33: {  	s26 =	ssub.s32 s26, s29;
	[sflag:s24] =	ssyncset.done $0x0  }
0x34: {  	s28 =	smul.u32 $0x1B00, s28;
	s26 =	smax.u32 s26, $0x1;
	[sflag:s24] =	ssyncadd.s32 $0xFFFFE800  }
0x35: {  	p0 =	sne.s32 s26, $0x1;
	_ =	swait.ge [sflag:s24], $0x1800  }
.Ltmp0:
0x36: {  	s25 =	sadd.s32 s28, s25;
	[sflag:s24] =	ssyncset.done $0x0;
	(pc) =	sbr.rel @!p0 .LBB2_2-.Ltmp0, $4  }
0x37: {  	s25 =	sadd.s32 $0x4B600, s25;
	[sflag:s24] =	ssyncadd.s32 $0xFFFFE800  }
0x38: {  	[hbm4b:s25+s2] =	stream.linear.scatter [tilespmem:s7], [sflag:$0x2], $0xD800, $0x38;
	[tilespmem:$0xDC80] =	vst v63  }
0x39: {  	_ =	swait.ge [sflag:s3], $0xD800  }
0x3a: {  	s26 =	sadd.s32 $0xFFFFFFFF, s26;
	[sflag:s3] =	ssyncset.done $0x0  }
.LBB2_1:
0x3b: {  	p0 =	sne.s32 s26, $0x1;
	s26 =	sadd.s32 $0xFFFFFFFF, s26;
	[sflag:s3] =	ssyncadd.s32 $0xFFFF2800  }
0x3c: {  	[tilespmem:s2], [sflag:$0x2] =	stream.linear.gather [hbm4b:s4+s2], $0x480, $0x38;
	[tilespmem:$0xDC80] =	vst v63  }
0x3d: {  	_ =	swait.ge [sflag:s3], $0x480  }
0x3e: {  	[sflag:s3] =	ssyncset.done $0x0  }
0x3f: {  	[sflag:s3] =	ssyncadd.s32 $0xFFFFFB80  }
0x40: {  	[tilespmem:s7], [sflag:$0x1] =	stream.indirect.gather [hbm4b:s5+s6], $0x80, s2, s6, $0xb8;
	[tilespmem:$0xDC80] =	vst v63  }
0x41: {  	_ = 	snop  }
0x42: {  	[tilespmem:s9], [sflag:$0x1] =	stream.indirect.gather [hbm4b:s5+s6], $0x80, s8, s6, $0xb8;
	[tilespmem:$0xDC80] =	vst v63  }
0x43: {  	_ = 	snop  }
0x44: {  	[tilespmem:s11], [sflag:$0x1] =	stream.indirect.gather [hbm4b:s5+s6], $0x80, s10, s6, $0xb8;
	[tilespmem:$0xDC80] =	vst v63  }
0x45: {  	_ = 	snop  }
0x46: {  	[tilespmem:s13], [sflag:$0x1] =	stream.indirect.gather [hbm4b:s5+s6], $0x80, s12, s6, $0xb8;
	[tilespmem:$0xDC80] =	vst v63  }
0x47: {  	_ = 	snop  }
0x48: {  	[tilespmem:s15], [sflag:$0x1] =	stream.indirect.gather [hbm4b:s5+s6], $0x80, s14, s6, $0xb8;
	[tilespmem:$0xDC80] =	vst v63  }
0x49: {  	_ = 	snop  }
0x4a: {  	[tilespmem:s17], [sflag:$0x1] =	stream.indirect.gather [hbm4b:s5+s6], $0x80, s16, s6, $0xb8;
	[tilespmem:$0xDC80] =	vst v63  }
0x4b: {  	_ = 	snop  }
0x4c: {  	[tilespmem:s19], [sflag:$0x1] =	stream.indirect.gather [hbm4b:s5+s6], $0x80, s18, s6, $0xb8;
	[tilespmem:$0xDC80] =	vst v63  }
0x4d: {  	_ = 	snop  }
0x4e: {  	[tilespmem:s21], [sflag:$0x1] =	stream.indirect.gather [hbm4b:s5+s6], $0x80, s20, s6, $0xb8;
	[tilespmem:$0xDC80] =	vst v63  }
0x4f: {  	_ = 	snop  }
0x50: {  	[tilespmem:s23], [sflag:$0x1] =	stream.indirect.gather [hbm4b:s5+s6], $0x80, s22, s6, $0xb8;
	[tilespmem:$0xDC80] =	vst v63  }
0x51: {  	_ =	swait.ge [sflag:s24], $0x1800  }
0x52: {  	[sflag:s24] =	ssyncset.done $0x0  }
0x53: {  	[sflag:s24] =	ssyncadd.s32 $0xFFFFE800  }
0x54: {  	_ =	swait.ge [sflag:s24], $0x1800  }
0x55: {  	[sflag:s24] =	ssyncset.done $0x0  }
0x56: {  	[sflag:s24] =	ssyncadd.s32 $0xFFFFE800  }
0x57: {  	_ =	swait.ge [sflag:s24], $0x1800  }
0x58: {  	[sflag:s24] =	ssyncset.done $0x0  }
0x59: {  	[sflag:s24] =	ssyncadd.s32 $0xFFFFE800  }
0x5a: {  	_ =	swait.ge [sflag:s24], $0x1800  }
0x5b: {  	[sflag:s24] =	ssyncset.done $0x0  }
0x5c: {  	[sflag:s24] =	ssyncadd.s32 $0xFFFFE800  }
0x5d: {  	_ =	swait.ge [sflag:s24], $0x1800  }
0x5e: {  	[sflag:s24] =	ssyncset.done $0x0  }
0x5f: {  	[sflag:s24] =	ssyncadd.s32 $0xFFFFE800  }
0x60: {  	_ =	swait.ge [sflag:s24], $0x1800  }
0x61: {  	[sflag:s24] =	ssyncset.done $0x0  }
0x62: {  	[sflag:s24] =	ssyncadd.s32 $0xFFFFE800  }
0x63: {  	_ =	swait.ge [sflag:s24], $0x1800  }
0x64: {  	[sflag:s24] =	ssyncset.done $0x0  }
0x65: {  	[sflag:s24] =	ssyncadd.s32 $0xFFFFE800  }
0x66: {  	_ =	swait.ge [sflag:s24], $0x1800  }
0x67: {  	[sflag:s24] =	ssyncset.done $0x0  }
0x68: {  	[sflag:s24] =	ssyncadd.s32 $0xFFFFE800  }
0x69: {  	_ =	swait.ge [sflag:s24], $0x1800  }
.Ltmp1:
0x6a: {  	[sflag:s24] =	ssyncset.done $0x0;
	(pc) =	sbr.rel @p0 .LBB2_1-.Ltmp1, $4  }
0x6b: {  	[sflag:s24] =	ssyncadd.s32 $0xFFFFE800  }
0x6c: {  	[hbm4b:s25+s2] =	stream.linear.scatter [tilespmem:s7], [sflag:$0x2], $0xD800, $0x38;
	[tilespmem:$0xDC80] =	vst v63  }
0x6d: {  	_ =	swait.ge [sflag:s3], $0xD800  }
0x6e: {  	[sflag:s3] =	ssyncset.done $0x0  }
.LBB2_2:
0x6f: {  	[sflag:s3] =	ssyncadd.s32 $0xFFFF2800  }
0x70: {  	_ =	sfence.sel $0x180000  }
0x71: {  	[bflag:$0x0] =	sbarrier.arrive $0xFFFF  }
0x72: {  	p0 =	sne.s32 s0, $0x0;
	_ =	strace $0x9000004A  }
0x73: {  	s0 =	sadd.s32 @!p0 $0x100000, s1;
	[bflag:$0x2] =	sbarrier.arrive $0xFFFF  }
0x74: {  	[sflag:s0] =	ssyncadd.tile.s32 @!p0 $0x1;
	_ =	shalt  }
.Lfunc_end2:
_tile_overlayer_lowered:
.L_overlay_start_2:
0x75: {  	(tag) =	ssettag $0x2  }
0x76: {  	s0 =	rddreg [dreg:$0x0];
	s2 =	stileid.u32  }
0x77: {  	s1 =	rddreg [dreg:$0x1];
	p0 =	sne.s32 s2, $0x0  }
0x78: {  	s3 =	rddreg [dreg:$0x2];
	[bflag:$0x3] =	sbarrier.arrive $0xFFFF;
	s2 =	simm.s32 @!p0 $0x1C02  }
0x79: {  	[timem:s3], [sflag:s2] =	dma.local @!p0 [hbm:s0], s1  }
0x7a: {  	s0 =	simm.s32 @!p0 $0x2  }
0x7b: {  	_ =	swait.ge @!p0 [sflag:s0], s1  }
0x7c: {  	s1 =	ssub.s32 @!p0 $0x0, s1;
	[sflag:s0] =	ssyncset.done @!p0 $0x0  }
0x7d: {  	[sflag:s0] =	ssyncadd.s32 @!p0 s1  }
0x7e: {  	[bflag:$0x3] =	sbarrier.arrive $0xFFFF  }
0x7f: {  	_ =	shalt  }

// kernel: kernel.8.cloned.1.call-start
scs
__scs_entry_jumppad:
0x0: {  	(pc) =	sbr.rel $0x88, $3  }
0x1: {  	(tag) =	ssettag $0x0;
	lr =	simm.s32 $0x1  }
0x2: {  	[smem:$0x3F91] =	sst lr;
	_ =	strace $0xD0000000  }
0x3: {  	_ = 	snop  }
0x4: {  	_ = 	snop  }
0x5: {  	_ = 	snop  }
0x6: {  	_ = 	snop  }
0x7: {  	_ = 	snop  }
__scs_overlays_trampoline_lowered:
0x8: {  	[smem:$0x3FA0] =	sst s0  }
0x9: {  	[smem:$0x3FA1] =	sst s1  }
0xa: {  	[smem:$0x3FA2] =	sst s2  }
0xb: {  	[smem:$0x3FA3] =	sst s3  }
0xc: {  	[smem:$0x3FA4] =	sst s4  }
0xd: {  	[smem:$0x3FA5] =	sst s5  }
0xe: {  	[smem:$0x3FA6] =	sst s6  }
0xf: {  	[smem:$0x3FA7] =	sst s7  }
0x10: {  	[smem:$0x3FA8] =	sst s8  }
0x11: {  	[smem:$0x3FA9] =	sst s9;
	s0 =	simm.s32 @!p0 $0x0  }
0x12: {  	s1 =	sld [smem:$0x3F8F];
	s0 =	simm.s32 @p0 $0x1  }
0x13: {  	[smem:$0x3FAA] =	sst s0;
	s0 =	simm.s32 @!p1 $0x0  }
0x14: {  	s2 =	sld [smem:$0x3F8E];
	s0 =	simm.s32 @p1 $0x1  }
0x15: {  	[smem:$0x3FAB] =	sst s0;
	s0 =	simm.s32 @!p2 $0x0  }
0x16: {  	s3 =	sld [smem:$0x3FDB];
	s0 =	simm.s32 @p2 $0x1  }
0x17: {  	s4 =	simm.s32 $0x1BF5;
	[smem:$0x3FAD] =	sst s0  }
0x18: {  	s0 =	sld [smem:$0x3F90];
	_ =	swait.ge [sflag:s4], $0x0  }
0x19: {  	s7 =	sld [smem:$0x3F91]  }
0x1a: {  	s8 =	sadd.s32 $0xFFFFE003, lr  }
0x1b: {  	s9 =	sadd.s32 $0xFFFFFEF7, lr;
	s5 =	simm.s32 $0xFFFFFFFF;
	p2 =	slt.u32 s8, $0xFFFFF086  }
0x1c: {  	p1 =	slt.u32 s9, $0xF7A;
	s5 =	simm.s32 @!p2 $0x0  }
0x1d: {  	s5 =	simm.s32 @p1 $0x1;
	p0 =	seq.s32 s7, s2  }
0x1e: {  	s7 =	smul.u32 @!p0 $0xF7A, s2;
	p2 =	seq.s32 @!p0 s5, $0x0  }
0x1f: {  	s9 =	smul.u32 $0xF7A, s1;
	s8 =	simm.s32 @!p0 $0x1BF5;
	p2 =	por !p2, p0  }
0x20: {  	[sflag:s8] =	ssyncset.s32 @!p0 $0xFFFFF086;
	s6 =	sadd.s32 @!p0 s3, s7;
	s7 =	simm.s32 @!p0 $0x108  }
0x21: {  	s3 =	sadd.s32 s3, s9;
	s6 =	sadd.s32 @!p0 $0x88, s6;
	s7 =	simm.s32 @p2 $0x1082  }
0x22: {  	[simem:s7], [sflag:s8] =	dma.local @!p0 [hbm:s6], $0xF7A  }
0x23: {  	s9 =	sor.u32 $0xD0000000, s2;
	s6 =	simm.s32 $0x108;
	_ =	swait.ge @!p0 [sflag:s8], $0x0  }
0x24: {  	s3 =	sadd.s32 $0x88, s3;
	s6 =	simm.s32 @!p1 $0x1082;
	[sflag:s4] =	ssyncset.s32 $0xFFFFF086  }
0x25: {  	[simem:s6], [sflag:s4] =	dma.local [hbm:s3], $0xF7A  }
0x26: {  	[smem:$0x3F91] =	sst s1;
	(tag) =	ssettag s2;
	_ =	strace s9  }
0x27: {  	s1 =	sld [smem:$0x3FA1]  }
0x28: {  	s2 =	sld [smem:$0x3FA2]  }
0x29: {  	s4 =	sld [smem:$0x3FA4]  }
0x2a: {  	p0 =	seq.s32 s5, $0x0;
	s5 =	sld [smem:$0x3FA5]  }
0x2b: {  	s6 =	sld [smem:$0x3FA6]  }
0x2c: {  	s7 =	sld [smem:$0x3FA7]  }
0x2d: {  	s3 =	simm.s32 $0x108;
	s8 =	sld [smem:$0x3FA8]  }
0x2e: {  	s3 =	simm.s32 @!p0 $0x1082;
	s9 =	sld [smem:$0x3FA9]  }
0x2f: {  	lr =	sadd.s32 s0, s3;
	s0 =	sld [smem:$0x3FA0]  }
0x30: {  	s3 =	sld [smem:$0x3FA3]  }
0x31: {  	[smem:$0x3FAC] =	sst s10  }
0x32: {  	s10 =	sld [smem:$0x3FAA];
	_ =	sdelay $0x3  }
0x33: {  	p0 =	seq.s32 s10, $0x1;
	s10 =	sld [smem:$0x3FAC];
	_ =	sdelay $0x3  }
0x34: {  	[smem:$0x3FAC] =	sst s10  }
0x35: {  	s10 =	sld [smem:$0x3FAB];
	_ =	sdelay $0x3  }
0x36: {  	p1 =	seq.s32 s10, $0x1;
	s10 =	sld [smem:$0x3FAC];
	_ =	sdelay $0x3  }
0x37: {  	[smem:$0x3FAC] =	sst s10  }
0x38: {  	s10 =	sld [smem:$0x3FAD]  }
0x39: {  	_ = 	snop;
	(pc) =	sbr.ind lr, $3  }
0x3a: {  	_ = 	snop  }
0x3b: {  	_ = 	snop  }
0x3c: {  	p2 =	seq.s32 s10, $0x1;
	s10 =	sld [smem:$0x3FAC]  }
0x3d: {  	_ =	shalt  }
0x3e: {  	_ =	shalt  }
0x3f: {  	_ =	shalt  }
0x40: {  	_ =	shalt  }
0x41: {  	_ =	shalt  }
0x42: {  	_ =	shalt  }
0x43: {  	_ =	shalt  }
0x44: {  	_ =	shalt  }
0x45: {  	_ =	shalt  }
0x46: {  	_ =	shalt  }
0x47: {  	_ =	shalt  }
0x48: {  	_ =	shalt  }
0x49: {  	_ =	shalt  }
0x4a: {  	_ =	shalt  }
0x4b: {  	_ =	shalt  }
0x4c: {  	_ =	shalt  }
0x4d: {  	_ =	shalt  }
0x4e: {  	_ =	shalt  }
0x4f: {  	_ =	shalt  }
0x50: {  	_ =	shalt  }
0x51: {  	_ =	shalt  }
0x52: {  	_ =	shalt  }
0x53: {  	_ =	shalt  }
0x54: {  	_ =	shalt  }
0x55: {  	_ =	shalt  }
0x56: {  	_ =	shalt  }
0x57: {  	_ =	shalt  }
0x58: {  	_ =	shalt  }
0x59: {  	_ =	shalt  }
0x5a: {  	_ =	shalt  }
0x5b: {  	_ =	shalt  }
0x5c: {  	_ =	shalt  }
0x5d: {  	_ =	shalt  }
0x5e: {  	_ =	shalt  }
0x5f: {  	_ =	shalt  }
0x60: {  	_ =	shalt  }
0x61: {  	_ =	shalt  }
0x62: {  	_ =	shalt  }
0x63: {  	_ =	shalt  }
0x64: {  	_ =	shalt  }
0x65: {  	_ =	shalt  }
0x66: {  	_ =	shalt  }
0x67: {  	_ =	shalt  }
0x68: {  	_ =	shalt  }
0x69: {  	_ =	shalt  }
0x6a: {  	_ =	shalt  }
0x6b: {  	_ =	shalt  }
0x6c: {  	_ =	shalt  }
0x6d: {  	_ =	shalt  }
0x6e: {  	_ =	shalt  }
0x6f: {  	_ =	shalt  }
0x70: {  	_ =	shalt  }
0x71: {  	_ =	shalt  }
0x72: {  	_ =	shalt  }
0x73: {  	_ =	shalt  }
0x74: {  	_ =	shalt  }
0x75: {  	_ =	shalt  }
0x76: {  	_ =	shalt  }
0x77: {  	_ =	shalt  }
0x78: {  	_ =	shalt  }
0x79: {  	_ =	shalt  }
0x7a: {  	_ =	shalt  }
0x7b: {  	_ =	shalt  }
0x7c: {  	_ =	shalt  }
0x7d: {  	_ =	shalt  }
0x7e: {  	_ =	shalt  }
0x7f: {  	_ =	shalt  }
0x80: {  	_ =	shalt  }
0x81: {  	_ =	shalt  }
0x82: {  	_ =	shalt  }
0x83: {  	_ =	shalt  }
0x84: {  	_ =	shalt  }
0x85: {  	_ =	shalt  }
0x86: {  	_ =	shalt  }
0x87: {  	_ =	shalt  }
.Lfunc_end0:
.L_simem_size_0:
called_computation_lowered:
.L_overlay_start_0:
0x88: {  	s2 =	sld [smem:$0x3FD9]  }
0x89: {  	s3 =	sld [smem:$0x3FFE];
	_ =	sdelay $0x1  }
0x8a: {  	s1 =	srdreg.scid  }
0x8b: {  	s0 =	sand.u32 $0x1, s1  }
0x8c: {  	s16 =	sshll.u32 s0, $0xA;
	s2 =	sadd.s32 s3, s2  }
0x8d: {  	s2 =	sadd.s32 s2, s16  }
0x8e: {  	[smem:$0x3FB8] =	sst s2  }
0x8f: {  	_ = 	snop  }
0x90: {  	(tm) =	ssettm $0x1  }
0x91: {  	s17 =	sld [smem:$0x3FFB];
	_ =	sdelay $0x3  }
0x92: {  	_ =	strace s17  }
0x93: {  	s2 =	sld [smem:$0x3FFC];
	_ =	sdelay $0x3  }
0x94: {  	_ =	strace s2  }
0x95: {  	s2 =	sld [smem:$0x3FFD];
	_ =	sdelay $0x3  }
0x96: {  	_ =	strace s2  }
0x97: {  	_ =	strace $0x8FFFFFFF  }
0x98: {  	s18 =	sld [smem:$0x3FDB];
	_ =	sdelay $0x1  }
0x99: {  	s19 =	simm.s32 $_scs_section_size  }
0x9a: {  	s4 =	simm.s32 $_size__tile_overlayer_lowered;
	s5 =	simm.s32 $_tile_overlayer_lowered  }
0x9b: {  	s22 =	simm.s32 $0x1BFF;
	s21 =	sshll.u32 s5, $0x1;
	s2 =	sadd.s32 s19, s18  }
0x9c: {  	s6 =	simm.s32 $0x0;
	s20 =	sshll.u32 s4, $0x1;
	s4 =	sadd.s32 s21, s2  }
0x9d: {  	[timem:s6], [sflag:s22] =	dma.local [hbm:s4], s20  }
0x9e: {  	_ =	swait.ge [sflag:s22], s20  }
0x9f: {  	s3 =	ssub.s32 $0x0, s20;
	[sflag:s22] =	ssyncset.done $0x0  }
0xa0: {  	[sflag:s22] =	ssyncadd.s32 s3;
	_ =	sdelay $0x1  }
0xa1: {  	s23 =	simm.s32 $0x1B8B  }
0xa2: {  	_ =	swait.ge [sflag:s23], $0x1  }
0xa3: {  	[sflag:s23] =	ssyncset.done $0x0  }
0xa4: {  	s25 =	simm.s32 $0x1B8E;
	s24 =	sld [smem:$0x3FFE];
	[sflag:s23] =	ssyncadd.s32 $0xFFFFFFFF  }
0xa5: {  	s26 =	simm.s32 $execute0_lowered;
	[smem:$0x3FD2] =	sst s25  }
0xa6: {  	s4 =	sshll.u32 s26, $0x1;
	_ =	strace $0x80000046;
	[dreg:$0x1] =	wrdreg $0xFFFFFFFF  }
0xa7: {  	s28 =	simm.s32 $_size_execute0_lowered;
	s2 =	sadd.s32 s2, s4;
	[dreg:$0x0] =	wrdreg $0x0  }
0xa8: {  	s4 =	sshll.u32 s28, $0x1;
	[dreg:$0x2] =	wrdreg s2  }
0xa9: {  	[dreg:$0x3] =	wrdreg s4  }
0xaa: {  	[dreg:$0x4] =	wrdreg $0xC0  }
0xab: {  	_ =	task [dreg:s6], $0x5FFFF  }
0xac: {  	[dreg:$0x1] =	wrdreg $0xFFFFFFFF  }
0xad: {  	[dreg:$0x0] =	wrdreg $0x60  }
0xae: {  	[dreg:$0x2] =	wrdreg s24  }
0xaf: {  	[dreg:$0x3] =	wrdreg $0x9  }
0xb0: {  	_ =	task.clear_ibuf [dreg:s6], $0x4FFFF;
	_ =	strace $0x90000046  }
0xb1: {  	s29 =	simm.s32 $0x9;
	_ =	strace $0x80000048  }
0xb2: {  	_ =	swait.ge [sflag:s29], $0x1  }
0xb3: {  	[sflag:s29] =	ssyncadd.s32 $0xFFFFFFFF  }
0xb4: {  	_ =	strace $0x90000048  }
0xb5: {  	_ =	sfence  }
0xb6: {  	s30 =	sld [smem:$0x0];
	_ =	sdelay $0x2  }
0xb7: {  	s31 =	sshll.u32 s1, $0xD;
	s1 =	sshrl.u32 s1, $0x2  }
0xb8: {  	s3 =	sand.u32 $0x4000, s31;
	s1 =	sadd.s32 s1, s30  }
0xb9: {  	s0 =	sor.u32 s3, s0;
	s1 =	sshll.u32 s1, $0x11  }
0xba: {  	s0 =	sor.u32 s1, s0  }
0xbb: {  	s0 =	sadd.s32 $0x8F2B, s0  }
0xbc: {  	[sflag:s0] =	ssyncadd.remote.s32 $0x1  }
0xbd: {  	_ =	sfence.sel $0xFFFF  }
0xbe: {  	[dreg:$0x0] =	wrdreg $0xFFFFFFFF;
	(pc) =	sbr.abs _section_cstart, $3  }
0xbf: {  	[dreg:$0x1] =	wrdreg $0xFFFFFFFF  }
0xc0: {  	_ =	task.clear_ibuf [dreg:s6], $0x2FFFF;
	_ =	strace $0x9FFFFFFF  }
0xc1: {  	(tm) =	ssettm $0x7FFFFFFF  }
tec
execute0_lowered:
.L_overlay_start_1:
0x0: {  	(tag) =	ssettag $0x1  }
0x1: {  	s1 =	srdreg.scid;
	s0 =	stileid.u32  }
0x2: {  	s26 =	sand.u32 $0x1, s1;
	s31 =	sshll.u32 s0, $0x1  }
0x3: {  	s28 =	sor.u32 s26, s31  }
0x4: {  	s25 =	rddreg [dreg:$0x0];
	s3 =	smul.u32 $0x90, s28  }
0x5: {  	s2 =	simm.s32 $0x0;
	s1 =	rddreg [dreg:$0x1]  }
0x6: {  	[smem:$0x7FF] =	sst s2;
	s3 =	sadd.s32 s3, s25  }
0x7: {  	_ =	strace $0x80000047;
	s4 =	sadd.s32 $0xB200, s3;
	s3 =	simm.s32 $0x2  }
0x8: {  	[tilespmem:s2], [sflag:$0x2] =	stream.linear.gather [hbm4b:s4+s2], $0x480, $0x38;
	[tilespmem:$0xDC80] =	vst v63  }
0x9: {  	_ =	swait.ge [sflag:s3], $0x480  }
0xa: {  	s6 =	simm.s32 $0x30;
	[sflag:s3] =	ssyncset.done $0x0  }
0xb: {  	s7 =	simm.s32 $0x480;
	s5 =	sadd.s32 $0x3200, s25;
	[sflag:s3] =	ssyncadd.s32 $0xFFFFFB80  }
0xc: {  	[tilespmem:s7], [sflag:$0x1] =	stream.indirect.gather [hbm4b:s5+s6], $0x80, s2, s6, $0xb8;
	[tilespmem:$0xDC80] =	vst v63  }
0xd: {  	s8 =	simm.s32 $0x80;
	s9 =	simm.s32 $0x1C80  }
0xe: {  	[tilespmem:s9], [sflag:$0x1] =	stream.indirect.gather [hbm4b:s5+s6], $0x80, s8, s6, $0xb8;
	[tilespmem:$0xDC80] =	vst v63  }
0xf: {  	s10 =	simm.s32 $0x100;
	s11 =	simm.s32 $0x3480  }
0x10: {  	[tilespmem:s11], [sflag:$0x1] =	stream.indirect.gather [hbm4b:s5+s6], $0x80, s10, s6, $0xb8;
	[tilespmem:$0xDC80] =	vst v63  }
0x11: {  	s12 =	simm.s32 $0x180;
	s13 =	simm.s32 $0x4C80  }
0x12: {  	[tilespmem:s13], [sflag:$0x1] =	stream.indirect.gather [hbm4b:s5+s6], $0x80, s12, s6, $0xb8;
	[tilespmem:$0xDC80] =	vst v63  }
0x13: {  	s14 =	simm.s32 $0x200;
	s15 =	simm.s32 $0x6480  }
0x14: {  	[tilespmem:s15], [sflag:$0x1] =	stream.indirect.gather [hbm4b:s5+s6], $0x80, s14, s6, $0xb8;
	[tilespmem:$0xDC80] =	vst v63  }
0x15: {  	s16 =	simm.s32 $0x280;
	s17 =	simm.s32 $0x7C80  }
0x16: {  	[tilespmem:s17], [sflag:$0x1] =	stream.indirect.gather [hbm4b:s5+s6], $0x80, s16, s6, $0xb8;
	[tilespmem:$0xDC80] =	vst v63  }
0x17: {  	s18 =	simm.s32 $0x300;
	s19 =	simm.s32 $0x9480  }
0x18: {  	[tilespmem:s19], [sflag:$0x1] =	stream.indirect.gather [hbm4b:s5+s6], $0x80, s18, s6, $0xb8;
	[tilespmem:$0xDC80] =	vst v63  }
0x19: {  	s20 =	simm.s32 $0x380;
	s21 =	simm.s32 $0xAC80  }
0x1a: {  	[tilespmem:s21], [sflag:$0x1] =	stream.indirect.gather [hbm4b:s5+s6], $0x80, s20, s6, $0xb8;
	[tilespmem:$0xDC80] =	vst v63  }
0x1b: {  	s22 =	simm.s32 $0x400;
	s23 =	simm.s32 $0xC480;
	s24 =	simm.s32 $0x1  }
0x1c: {  	[tilespmem:s23], [sflag:$0x1] =	stream.indirect.gather [hbm4b:s5+s6], $0x80, s22, s6, $0xb8;
	[tilespmem:$0xDC80] =	vst v63  }
0x1d: {  	_ =	swait.ge [sflag:s24], $0x1800  }
0x1e: {  	[sflag:s24] =	ssyncset.done $0x0  }
0x1f: {  	[sflag:s24] =	ssyncadd.s32 $0xFFFFE800  }
0x20: {  	_ =	swait.ge [sflag:s24], $0x1800  }
0x21: {  	[sflag:s24] =	ssyncset.done $0x0  }
0x22: {  	[sflag:s24] =	ssyncadd.s32 $0xFFFFE800  }
0x23: {  	_ =	swait.ge [sflag:s24], $0x1800  }
0x24: {  	[sflag:s24] =	ssyncset.done $0x0  }
0x25: {  	[sflag:s24] =	ssyncadd.s32 $0xFFFFE800  }
0x26: {  	_ =	swait.ge [sflag:s24], $0x1800  }
0x27: {  	[sflag:s24] =	ssyncset.done $0x0  }
0x28: {  	[sflag:s24] =	ssyncadd.s32 $0xFFFFE800  }
0x29: {  	_ =	swait.ge [sflag:s24], $0x1800  }
0x2a: {  	[sflag:s24] =	ssyncset.done $0x0  }
0x2b: {  	[sflag:s24] =	ssyncadd.s32 $0xFFFFE800  }
0x2c: {  	_ =	swait.ge [sflag:s24], $0x1800  }
0x2d: {  	[sflag:s24] =	ssyncset.done $0x0  }
0x2e: {  	[sflag:s24] =	ssyncadd.s32 $0xFFFFE800  }
0x2f: {  	_ =	swait.ge [sflag:s24], $0x1800  }
0x30: {  	[sflag:s24] =	ssyncset.done $0x0  }
0x31: {  	s26 =	ssub.s32 $0x2, s26;
	[sflag:s24] =	ssyncadd.s32 $0xFFFFE800  }
0x32: {  	s29 =	sshrl.u32 s26, $0x1;
	_ =	swait.ge [sflag:s24], $0x1800  }
0x33: {  	s26 =	ssub.s32 s26, s29;
	[sflag:s24] =	ssyncset.done $0x0  }
0x34: {  	s28 =	smul.u32 $0x1B00, s28;
	s26 =	smax.u32 s26, $0x1;
	[sflag:s24] =	ssyncadd.s32 $0xFFFFE800  }
0x35: {  	p0 =	sne.s32 s26, $0x1;
	_ =	swait.ge [sflag:s24], $0x1800  }
.Ltmp0:
0x36: {  	s25 =	sadd.s32 s28, s25;
	[sflag:s24] =	ssyncset.done $0x0;
	(pc) =	sbr.rel @!p0 .LBB2_2-.Ltmp0, $4  }
0x37: {  	s25 =	sadd.s32 $0xC400, s25;
	[sflag:s24] =	ssyncadd.s32 $0xFFFFE800  }
0x38: {  	[hbm4b:s25+s2] =	stream.linear.scatter [tilespmem:s7], [sflag:$0x2], $0xD800, $0x38;
	[tilespmem:$0xDC80] =	vst v63  }
0x39: {  	_ =	swait.ge [sflag:s3], $0xD800  }
0x3a: {  	s26 =	sadd.s32 $0xFFFFFFFF, s26;
	[sflag:s3] =	ssyncset.done $0x0  }
.LBB2_1:
0x3b: {  	p0 =	sne.s32 s26, $0x1;
	s26 =	sadd.s32 $0xFFFFFFFF, s26;
	[sflag:s3] =	ssyncadd.s32 $0xFFFF2800  }
0x3c: {  	[tilespmem:s2], [sflag:$0x2] =	stream.linear.gather [hbm4b:s4+s2], $0x480, $0x38;
	[tilespmem:$0xDC80] =	vst v63  }
0x3d: {  	_ =	swait.ge [sflag:s3], $0x480  }
0x3e: {  	[sflag:s3] =	ssyncset.done $0x0  }
0x3f: {  	[sflag:s3] =	ssyncadd.s32 $0xFFFFFB80  }
0x40: {  	[tilespmem:s7], [sflag:$0x1] =	stream.indirect.gather [hbm4b:s5+s6], $0x80, s2, s6, $0xb8;
	[tilespmem:$0xDC80] =	vst v63  }
0x41: {  	_ = 	snop  }
0x42: {  	[tilespmem:s9], [sflag:$0x1] =	stream.indirect.gather [hbm4b:s5+s6], $0x80, s8, s6, $0xb8;
	[tilespmem:$0xDC80] =	vst v63  }
0x43: {  	_ = 	snop  }
0x44: {  	[tilespmem:s11], [sflag:$0x1] =	stream.indirect.gather [hbm4b:s5+s6], $0x80, s10, s6, $0xb8;
	[tilespmem:$0xDC80] =	vst v63  }
0x45: {  	_ = 	snop  }
0x46: {  	[tilespmem:s13], [sflag:$0x1] =	stream.indirect.gather [hbm4b:s5+s6], $0x80, s12, s6, $0xb8;
	[tilespmem:$0xDC80] =	vst v63  }
0x47: {  	_ = 	snop  }
0x48: {  	[tilespmem:s15], [sflag:$0x1] =	stream.indirect.gather [hbm4b:s5+s6], $0x80, s14, s6, $0xb8;
	[tilespmem:$0xDC80] =	vst v63  }
0x49: {  	_ = 	snop  }
0x4a: {  	[tilespmem:s17], [sflag:$0x1] =	stream.indirect.gather [hbm4b:s5+s6], $0x80, s16, s6, $0xb8;
	[tilespmem:$0xDC80] =	vst v63  }
0x4b: {  	_ = 	snop  }
0x4c: {  	[tilespmem:s19], [sflag:$0x1] =	stream.indirect.gather [hbm4b:s5+s6], $0x80, s18, s6, $0xb8;
	[tilespmem:$0xDC80] =	vst v63  }
0x4d: {  	_ = 	snop  }
0x4e: {  	[tilespmem:s21], [sflag:$0x1] =	stream.indirect.gather [hbm4b:s5+s6], $0x80, s20, s6, $0xb8;
	[tilespmem:$0xDC80] =	vst v63  }
0x4f: {  	_ = 	snop  }
0x50: {  	[tilespmem:s23], [sflag:$0x1] =	stream.indirect.gather [hbm4b:s5+s6], $0x80, s22, s6, $0xb8;
	[tilespmem:$0xDC80] =	vst v63  }
0x51: {  	_ =	swait.ge [sflag:s24], $0x1800  }
0x52: {  	[sflag:s24] =	ssyncset.done $0x0  }
0x53: {  	[sflag:s24] =	ssyncadd.s32 $0xFFFFE800  }
0x54: {  	_ =	swait.ge [sflag:s24], $0x1800  }
0x55: {  	[sflag:s24] =	ssyncset.done $0x0  }
0x56: {  	[sflag:s24] =	ssyncadd.s32 $0xFFFFE800  }
0x57: {  	_ =	swait.ge [sflag:s24], $0x1800  }
0x58: {  	[sflag:s24] =	ssyncset.done $0x0  }
0x59: {  	[sflag:s24] =	ssyncadd.s32 $0xFFFFE800  }
0x5a: {  	_ =	swait.ge [sflag:s24], $0x1800  }
0x5b: {  	[sflag:s24] =	ssyncset.done $0x0  }
0x5c: {  	[sflag:s24] =	ssyncadd.s32 $0xFFFFE800  }
0x5d: {  	_ =	swait.ge [sflag:s24], $0x1800  }
0x5e: {  	[sflag:s24] =	ssyncset.done $0x0  }
0x5f: {  	[sflag:s24] =	ssyncadd.s32 $0xFFFFE800  }
0x60: {  	_ =	swait.ge [sflag:s24], $0x1800  }
0x61: {  	[sflag:s24] =	ssyncset.done $0x0  }
0x62: {  	[sflag:s24] =	ssyncadd.s32 $0xFFFFE800  }
0x63: {  	_ =	swait.ge [sflag:s24], $0x1800  }
0x64: {  	[sflag:s24] =	ssyncset.done $0x0  }
0x65: {  	[sflag:s24] =	ssyncadd.s32 $0xFFFFE800  }
0x66: {  	_ =	swait.ge [sflag:s24], $0x1800  }
0x67: {  	[sflag:s24] =	ssyncset.done $0x0  }
0x68: {  	[sflag:s24] =	ssyncadd.s32 $0xFFFFE800  }
0x69: {  	_ =	swait.ge [sflag:s24], $0x1800  }
.Ltmp1:
0x6a: {  	[sflag:s24] =	ssyncset.done $0x0;
	(pc) =	sbr.rel @p0 .LBB2_1-.Ltmp1, $4  }
0x6b: {  	[sflag:s24] =	ssyncadd.s32 $0xFFFFE800  }
0x6c: {  	[hbm4b:s25+s2] =	stream.linear.scatter [tilespmem:s7], [sflag:$0x2], $0xD800, $0x38;
	[tilespmem:$0xDC80] =	vst v63  }
0x6d: {  	_ =	swait.ge [sflag:s3], $0xD800  }
0x6e: {  	[sflag:s3] =	ssyncset.done $0x0  }
.LBB2_2:
0x6f: {  	[sflag:s3] =	ssyncadd.s32 $0xFFFF2800  }
0x70: {  	_ =	sfence.sel $0x180000  }
0x71: {  	[bflag:$0x0] =	sbarrier.arrive $0xFFFF  }
0x72: {  	p0 =	sne.s32 s0, $0x0;
	_ =	strace $0x90000047  }
0x73: {  	s0 =	sadd.s32 @!p0 $0x100000, s1;
	[bflag:$0x2] =	sbarrier.arrive $0xFFFF  }
0x74: {  	[sflag:s0] =	ssyncadd.tile.s32 @!p0 $0x1;
	_ =	shalt  }
.Lfunc_end2:
_tile_overlayer_lowered:
.L_overlay_start_2:
0x75: {  	(tag) =	ssettag $0x2  }
0x76: {  	s0 =	rddreg [dreg:$0x0];
	s2 =	stileid.u32  }
0x77: {  	s1 =	rddreg [dreg:$0x1];
	p0 =	sne.s32 s2, $0x0  }
0x78: {  	s3 =	rddreg [dreg:$0x2];
	[bflag:$0x3] =	sbarrier.arrive $0xFFFF;
	s2 =	simm.s32 @!p0 $0x1C02  }
0x79: {  	[timem:s3], [sflag:s2] =	dma.local @!p0 [hbm:s0], s1  }
0x7a: {  	s0 =	simm.s32 @!p0 $0x2  }
0x7b: {  	_ =	swait.ge @!p0 [sflag:s0], s1  }
0x7c: {  	s1 =	ssub.s32 @!p0 $0x0, s1;
	[sflag:s0] =	ssyncset.done @!p0 $0x0  }
0x7d: {  	[sflag:s0] =	ssyncadd.s32 @!p0 s1  }
0x7e: {  	[bflag:$0x3] =	sbarrier.arrive $0xFFFF  }
0x7f: {  	_ =	shalt  }

</sc_bundles>
